<compile_context>
chip_gen: v7x
topology: tpu7x:2x2x1
jax: 0.10.2.dev20260603
libtpu: 0.0.44.dev20260713+nightly
codegen_flags: <defaults>
</compile_context>

<pallas_src>
import functools

import jax
import jax.numpy as jnp
from jax import lax
from jax.experimental import pallas as pl
from jax.experimental.pallas import tpu as pltpu
from jax.experimental.pallas import tpu_sc as plsc

VOCAB = 1000000
EMBED_DIM = 64
SLOT = 128
SEQ = 200
NBUF = 2

_params = pltpu.CompilerParams(needs_layout_passes=False)


@jax.jit
def _sc_embed(table128, idx_flat):
    info = plsc.get_sparse_core_info()
    nc, ns = info.num_cores, info.num_subcores
    nw = nc * ns
    mesh = plsc.VectorSubcoreMesh(core_axis_name="c", subcore_axis_name="s")

    table = table128

    n_batch = idx_flat.shape[0] // SEQ
    b_per_w = n_batch // nw
    n_steps = b_per_w
    n_outer = n_steps // NBUF

    @functools.partial(
        pl.kernel,
        mesh=mesh,
        out_type=jax.ShapeDtypeStruct((n_batch, SEQ, EMBED_DIM), jnp.float32),
        scratch_types=[
            pltpu.VMEM((SEQ,), jnp.int32),
            pltpu.VMEM((SEQ,), jnp.int32),
            pltpu.VMEM((NBUF, SEQ, SLOT), jnp.float32),
            pltpu.VMEM((NBUF, 1, SEQ, EMBED_DIM), jnp.float32),
            pltpu.SemaphoreType.DMA,
            pltpu.SemaphoreType.DMA,
            pltpu.SemaphoreType.DMA,
            pltpu.SemaphoreType.DMA,
            pltpu.SemaphoreType.DMA,
            pltpu.SemaphoreType.DMA,
        ],
        compiler_params=_params,
    )
    def gather_k(tab_hbm, idx_hbm, out_hbm, idx_v0, idx_v1, rows_v,
                 rows64_v, sem_i0, sem_i1, sem_g0, sem_g1, sem_s0, sem_s1):
        idx_bufs = (idx_v0, idx_v1)
        wid = lax.axis_index("s") * nc + lax.axis_index("c")
        b_base = wid * b_per_w
        sem_i = (sem_i0, sem_i1)
        sem_g = (sem_g0, sem_g1)
        sem_s = (sem_s0, sem_s1)

        def idx_copy(step, buf):
            off = pl.multiple_of((b_base + step) * SEQ, 8)
            return pltpu.make_async_copy(
                idx_hbm.at[pl.ds(off, SEQ)], idx_bufs[buf], sem_i[buf])

        def gather_copy(buf):
            return pltpu.make_async_copy(
                tab_hbm.at[idx_bufs[buf]], rows_v.at[buf], sem_g[buf])

        def store_copy(step, buf):
            b_off = b_base + step
            return pltpu.make_async_copy(
                rows64_v.at[buf], out_hbm.at[pl.ds(b_off, 1)], sem_s[buf])

        def compact(buf):
            def cbody(rg, carry2):
                for u in range(4):
                    r = rg * 4 + u
                    for gg in range(EMBED_DIM // 16):
                        rows64_v[buf, 0, r, pl.ds(gg * 16, 16)] = (
                            rows_v[buf, r, pl.ds(gg * 16, 16)])
                return carry2

            lax.fori_loop(0, SEQ // 4, cbody, 0)

        idx_copy(0, 0).start()
        idx_copy(1, 1).start()

        def outer(g, carry):
            for b in range(NBUF):
                step = g * NBUF + b
                pb = 1 - b
                idx_copy(step, b).wait()
                gather_copy(b).start()

                @pl.when(step > 0)
                def _():
                    gather_copy(pb).wait()

                    @pl.when(step > 2)
                    def _():
                        store_copy(step - 3, pb).wait()

                    compact(pb)
                    store_copy(step - 1, pb).start()

                    @pl.when(step + 1 < n_steps)
                    def _():
                        idx_copy(step + 1, pb).start()
            return carry

        lax.fori_loop(0, n_outer, outer, 0)

        last = n_steps - 1
        lb = last % NBUF
        gather_copy(lb).wait()
        store_copy(last - 2, lb).wait()
        compact(lb)
        store_copy(last, lb).start()
        store_copy(last - 1, 1 - lb).wait()
        store_copy(last, lb).wait()

    return gather_k(table, idx_flat)


def kernel(input_, weight):
    b, s = input_.shape
    idx_flat = input_.reshape(b * s).astype(jnp.int32)
    table128 = jnp.concatenate([weight, weight], axis=1)
    return _sc_embed(table128, idx_flat)

# --- scband reference (transcript-rebuilt; emitter-appended) ---
"""Pipeline reference for scband-vocab-parallel-embedding-64209761075982 (READ-ONLY COPY).

The authoritative reference and input builder live on the scoring server;
editing this copy changes nothing except your own understanding.
"""

import jax, jax.numpy as jnp
import numpy as np

NUM_EMBEDDINGS = 1000000
EMBEDDING_DIM = 64

def setup_inputs(seed: int = 0) -> dict:
    key = jax.random.key(seed)
    k_idx, k_w = jax.random.split(key)
    input_ = jax.random.randint(k_idx, (4096, 200), 0, NUM_EMBEDDINGS, dtype=jnp.int64 if jax.config.read('jax_enable_x64') else jnp.int32)
    # xavier_normal_ init for weight [num_embeddings, embedding_dim]
    fan_in, fan_out = NUM_EMBEDDINGS, EMBEDDING_DIM
    std = float(np.sqrt(2.0 / (fan_in + fan_out)))
    weight = jax.random.normal(k_w, (NUM_EMBEDDINGS, EMBEDDING_DIM), dtype=jnp.float32) * std
    return {"input_": input_, "weight": weight}

def reference(input_, weight):
    # tensor_model_parallel_size == 1: masked_input = input_
    # F.embedding -> row gather from the weight table
    output = jnp.take(weight, input_, axis=0)
    # reduce_from_tensor_model_parallel_region is identity for world_size=1
    return output

if __name__ == "__main__":
    import jax
    _d = setup_inputs()
    print(jax.jit(kernel)(*tuple(_d.values())))

</pallas_src>

<mosaic_0001>
#map = affine_map<(d0, d1) -> (0, 0)>
#map1 = affine_map<(d0, d1) -> (0)>
#map2 = affine_map<(d0, d1) -> (0, 0, 0)>
module attributes {stable_mosaic.version = 14 : i64} {
  func.func @gather_k(%arg0: i32, %arg1: i32, %arg2: memref<1000000x128xf32, #tpu.memory_space<hbm>>, %arg3: memref<819200xi32, #tpu.memory_space<hbm>>, %arg4: memref<4096x200x64xf32, #tpu.memory_space<hbm>>, %arg5: memref<200xi32, #tpu.memory_space<vmem>>, %arg6: memref<200xi32, #tpu.memory_space<vmem>>, %arg7: memref<2x200x128xf32, #tpu.memory_space<vmem>>, %arg8: memref<2x1x200x64xf32, #tpu.memory_space<vmem>>, %arg9: memref<!tpu.dma_semaphore, #tpu.memory_space<semaphore_mem>>, %arg10: memref<!tpu.dma_semaphore, #tpu.memory_space<semaphore_mem>>, %arg11: memref<!tpu.dma_semaphore, #tpu.memory_space<semaphore_mem>>, %arg12: memref<!tpu.dma_semaphore, #tpu.memory_space<semaphore_mem>>, %arg13: memref<!tpu.dma_semaphore, #tpu.memory_space<semaphore_mem>>, %arg14: memref<!tpu.dma_semaphore, #tpu.memory_space<semaphore_mem>>) attributes {dimension_semantics = [#tpu.dimension_semantics<core_parallel>, #tpu.dimension_semantics<subcore_parallel>], iteration_bounds = array<i64: 2, 16>, scalar_prefetch = 0 : i64, scratch_operands = 10 : i64, tpu.core_type = #tpu.core_type<sc_vector_subcore>, window_params = [{transform_indices = #map}, {transform_indices = #map1}, {transform_indices = #map2}]} {
    %mul3A = arith.constant 2 : i32
    %mul3A_0 = arith.muli %arg1, %mul3A : i32
    %add3A = arith.addi %mul3A_0, %arg0 : i32
    %mul3A_1 = arith.constant 128 : i32
    %mul3A_2 = arith.muli %add3A, %mul3A_1 : i32
    %add3A_3 = arith.constant 0 : i32
    %add3A_4 = arith.addi %mul3A_2, %add3A_3 : i32
    %mul3A_5 = arith.constant 200 : i32
    %mul3A_6 = arith.muli %add3A_4, %mul3A_5 : i32
    %multiple_of3A = tpu.assume_multiple %mul3A_6, 8 : i32
    %dma_start3A = tpu.memref_slice %arg3[%multiple_of3A] : memref<819200xi32, #tpu.memory_space<hbm>> -> memref<200xi32, #tpu.memory_space<hbm>>
    %dma_start3A_7 = tpu.memref_slice %arg3[%multiple_of3A] : memref<819200xi32, #tpu.memory_space<hbm>> -> memref<200xi32, #tpu.memory_space<hbm>>
    tpu.enqueue_dma source(%dma_start3A_7 : memref<200xi32, #tpu.memory_space<hbm>>) target(%arg5 : memref<200xi32, #tpu.memory_space<vmem>>) target_semaphore(%arg9 : memref<!tpu.dma_semaphore, #tpu.memory_space<semaphore_mem>>)
    %add3A_8 = arith.constant 1 : i32
    %add3A_9 = arith.addi %mul3A_2, %add3A_8 : i32
    %mul3A_10 = arith.constant 200 : i32
    %mul3A_11 = arith.muli %add3A_9, %mul3A_10 : i32
    %multiple_of3A_12 = tpu.assume_multiple %mul3A_11, 8 : i32
    %dma_start3A_13 = tpu.memref_slice %arg3[%multiple_of3A_12] : memref<819200xi32, #tpu.memory_space<hbm>> -> memref<200xi32, #tpu.memory_space<hbm>>
    %dma_start3A_14 = tpu.memref_slice %arg3[%multiple_of3A_12] : memref<819200xi32, #tpu.memory_space<hbm>> -> memref<200xi32, #tpu.memory_space<hbm>>
    tpu.enqueue_dma source(%dma_start3A_14 : memref<200xi32, #tpu.memory_space<hbm>>) target(%arg6 : memref<200xi32, #tpu.memory_space<vmem>>) target_semaphore(%arg10 : memref<!tpu.dma_semaphore, #tpu.memory_space<semaphore_mem>>)
    %scan3A = arith.constant 0 : i32
    %scan3A_15 = arith.constant 0 : i32
    %scan3A_16 = arith.constant 64 : i32
    %scan3A_17 = arith.addi %scan3A_15, %scan3A_16 : i32
    %scan3A_18 = arith.constant 1 : i32
    scf.for %scan3A_109 = %scan3A_15 to %scan3A_17 step %scan3A_18  : i32 {
      %mul3A_110 = arith.constant 2 : i32
      %mul3A_111 = arith.muli %scan3A_109, %mul3A_110 : i32
      %add3A_112 = arith.constant 0 : i32
      %add3A_113 = arith.addi %mul3A_111, %add3A_112 : i32
      %add3A_114 = arith.addi %mul3A_2, %add3A_113 : i32
      %mul3A_115 = arith.constant 200 : i32
      %mul3A_116 = arith.muli %add3A_114, %mul3A_115 : i32
      %multiple_of3A_117 = tpu.assume_multiple %mul3A_116, 8 : i32
      %dma_wait3A_118 = tpu.memref_slice %arg3[%multiple_of3A_117] : memref<819200xi32, #tpu.memory_space<hbm>> -> memref<200xi32, #tpu.memory_space<hbm>>
      %dma_wait3A_119 = tpu.memref_slice %arg3[%multiple_of3A_117] : memref<819200xi32, #tpu.memory_space<hbm>> -> memref<200xi32, #tpu.memory_space<hbm>>
      tpu.wait_dma2 semaphore(%arg9 : memref<!tpu.dma_semaphore, #tpu.memory_space<semaphore_mem>>) src(%dma_wait3A_119 : memref<200xi32, #tpu.memory_space<hbm>>) dst(%arg5 : memref<200xi32, #tpu.memory_space<vmem>>)
      %dma_start3A_120 = arith.constant 0 : i32
      %dma_start3A_121 = arith.constant 0 : i32
      %dma_start3A_122 = arith.constant 0 : i32
      %dma_start3A_123 = tpu.memref_slice %arg7[%dma_start3A_120, %dma_start3A_121, %dma_start3A_122] : memref<2x200x128xf32, #tpu.memory_space<vmem>> -> memref<1x200x128xf32, #tpu.memory_space<vmem>>
      %dma_start3A_124 = tpu.memref_squeeze %dma_start3A_123 : memref<1x200x128xf32, #tpu.memory_space<vmem>> -> memref<200x128xf32, #tpu.memory_space<vmem>>
      %dma_start3A_125 = arith.constant 0 : i32
      %dma_start3A_126 = arith.constant 0 : i32
      %dma_start3A_127 = tpu.memref_slice %arg2[%dma_start3A_125, %dma_start3A_126] : memref<1000000x128xf32, #tpu.memory_space<hbm>> -> memref<1000000x128xf32, #tpu.memory_space<hbm>>
      tpu.enqueue_indirect_dma source(%dma_start3A_127 : memref<1000000x128xf32, #tpu.memory_space<hbm>>) target(%dma_start3A_124 : memref<200x128xf32, #tpu.memory_space<vmem>>) offsets(%arg5 : memref<200xi32, #tpu.memory_space<vmem>>) semaphore(%arg11 : memref<!tpu.dma_semaphore, #tpu.memory_space<semaphore_mem>>)
      %gt3A = arith.constant 0 : i32
      %gt3A_128 = arith.cmpi sgt, %add3A_113, %gt3A : i32
      %convert_element_type3A = arith.extui %gt3A_128 : i1 to i32
      %cond3A = arith.constant 0 : i32
      %cond3A_129 = arith.cmpi ne, %convert_element_type3A, %cond3A : i32
      scf.if %cond3A_129 {
        %dma_wait3A_153 = arith.constant 1 : i32
        %dma_wait3A_154 = arith.constant 0 : i32
        %dma_wait3A_155 = arith.constant 0 : i32
        %dma_wait3A_156 = tpu.memref_slice %arg7[%dma_wait3A_153, %dma_wait3A_154, %dma_wait3A_155] : memref<2x200x128xf32, #tpu.memory_space<vmem>> -> memref<1x200x128xf32, #tpu.memory_space<vmem>>
        %dma_wait3A_157 = tpu.memref_squeeze %dma_wait3A_156 : memref<1x200x128xf32, #tpu.memory_space<vmem>> -> memref<200x128xf32, #tpu.memory_space<vmem>>
        %dma_wait3A_158 = arith.constant 0 : i32
        %dma_wait3A_159 = arith.constant 0 : i32
        %dma_wait3A_160 = tpu.memref_slice %arg2[%dma_wait3A_158, %dma_wait3A_159] : memref<1000000x128xf32, #tpu.memory_space<hbm>> -> memref<1000000x128xf32, #tpu.memory_space<hbm>>
        tpu.wait_indirect_dma semaphore(%arg12 : memref<!tpu.dma_semaphore, #tpu.memory_space<semaphore_mem>>) src(%dma_wait3A_160 : memref<1000000x128xf32, #tpu.memory_space<hbm>>) dst(%dma_wait3A_157 : memref<200x128xf32, #tpu.memory_space<vmem>>)
        %gt3A_161 = arith.constant 2 : i32
        %gt3A_162 = arith.cmpi sgt, %add3A_113, %gt3A_161 : i32
        %convert_element_type3A_163 = arith.extui %gt3A_162 : i1 to i32
        %cond3A_164 = arith.constant 0 : i32
        %cond3A_165 = arith.cmpi ne, %convert_element_type3A_163, %cond3A_164 : i32
        scf.if %cond3A_165 {
          %sub3A_197 = arith.constant 3 : i32
          %sub3A_198 = arith.subi %add3A_113, %sub3A_197 : i32
          %add3A_199 = arith.addi %mul3A_2, %sub3A_198 : i32
          %dma_wait3A_200 = arith.constant 1 : i32
          %dma_wait3A_201 = arith.constant 0 : i32
          %dma_wait3A_202 = arith.constant 0 : i32
          %dma_wait3A_203 = arith.constant 0 : i32
          %dma_wait3A_204 = tpu.memref_slice %arg8[%dma_wait3A_200, %dma_wait3A_201, %dma_wait3A_202, %dma_wait3A_203] : memref<2x1x200x64xf32, #tpu.memory_space<vmem>> -> memref<1x1x200x64xf32, #tpu.memory_space<vmem>>
          %dma_wait3A_205 = tpu.memref_squeeze %dma_wait3A_204 : memref<1x1x200x64xf32, #tpu.memory_space<vmem>> -> memref<1x200x64xf32, #tpu.memory_space<vmem>>
          %dma_wait3A_206 = arith.constant 0 : i32
          %dma_wait3A_207 = arith.constant 0 : i32
          %dma_wait3A_208 = tpu.memref_slice %arg4[%add3A_199, %dma_wait3A_206, %dma_wait3A_207] : memref<4096x200x64xf32, #tpu.memory_space<hbm>> -> memref<1x200x64xf32, #tpu.memory_space<hbm>>
          %dma_wait3A_209 = arith.constant 0 : i32
          %dma_wait3A_210 = arith.constant 0 : i32
          %dma_wait3A_211 = tpu.memref_slice %arg4[%add3A_199, %dma_wait3A_209, %dma_wait3A_210] : memref<4096x200x64xf32, #tpu.memory_space<hbm>> -> memref<1x200x64xf32, #tpu.memory_space<hbm>>
          %dma_wait3A_212 = arith.constant 0 : i32
          %dma_wait3A_213 = arith.constant 0 : i32
          %dma_wait3A_214 = arith.constant 0 : i32
          %dma_wait3A_215 = tpu.memref_slice %arg8[%dma_wait3A_200, %dma_wait3A_212, %dma_wait3A_213, %dma_wait3A_214] : memref<2x1x200x64xf32, #tpu.memory_space<vmem>> -> memref<1x1x200x64xf32, #tpu.memory_space<vmem>>
          %dma_wait3A_216 = tpu.memref_squeeze %dma_wait3A_215 : memref<1x1x200x64xf32, #tpu.memory_space<vmem>> -> memref<1x200x64xf32, #tpu.memory_space<vmem>>
          tpu.wait_dma2 semaphore(%arg14 : memref<!tpu.dma_semaphore, #tpu.memory_space<semaphore_mem>>) src(%dma_wait3A_216 : memref<1x200x64xf32, #tpu.memory_space<vmem>>) dst(%dma_wait3A_211 : memref<1x200x64xf32, #tpu.memory_space<hbm>>)
        } else {
        }
        %scan3A_166 = arith.constant 0 : i32
        %scan3A_167 = arith.constant 0 : i32
        %scan3A_168 = arith.constant 50 : i32
        %scan3A_169 = arith.addi %scan3A_167, %scan3A_168 : i32
        %scan3A_170 = arith.constant 1 : i32
        scf.for %scan3A_197 = %scan3A_167 to %scan3A_169 step %scan3A_170  : i32 {
          %mul3A_198 = arith.constant 4 : i32
          %mul3A_199 = arith.muli %scan3A_197, %mul3A_198 : i32
          %add3A_200 = arith.constant 0 : i32
          %add3A_201 = arith.addi %mul3A_199, %add3A_200 : i32
          %get3A = arith.constant 1 : i32
          %get3A_202 = arith.index_cast %get3A : i32 to index
          %get3A_203 = arith.index_cast %add3A_201 : i32 to index
          %get3A_204 = arith.constant 0 : index
          %get3A_205 = tpu.vector_load %arg7[%get3A_202, %get3A_203, %get3A_204] {strides = array<i32>} : memref<2x200x128xf32, #tpu.memory_space<vmem>>, vector<16xf32>,
          %swap3A = arith.constant 1 : i32
          %swap3A_206 = arith.constant 0 : i32
          %swap3A_207 = arith.index_cast %swap3A : i32 to index
          %swap3A_208 = arith.index_cast %swap3A_206 : i32 to index
          %swap3A_209 = arith.index_cast %add3A_201 : i32 to index
          %swap3A_210 = arith.constant 0 : index
          %swap3A_211 = tpu.vector_load %arg8[%swap3A_207, %swap3A_208, %swap3A_209, %swap3A_210] {strides = array<i32>} : memref<2x1x200x64xf32, #tpu.memory_space<vmem>>, vector<16xf32>,
          tpu.vector_store %arg8[%swap3A_207, %swap3A_208, %swap3A_209, %swap3A_210], %get3A_205 {strides = array<i32>} : memref<2x1x200x64xf32, #tpu.memory_space<vmem>>, vector<16xf32>,
          %get3A_212 = arith.constant 1 : i32
          %get3A_213 = arith.index_cast %get3A_212 : i32 to index
          %get3A_214 = arith.index_cast %add3A_201 : i32 to index
          %get3A_215 = arith.constant 16 : index
          %get3A_216 = tpu.vector_load %arg7[%get3A_213, %get3A_214, %get3A_215] {strides = array<i32>} : memref<2x200x128xf32, #tpu.memory_space<vmem>>, vector<16xf32>,
          %swap3A_217 = arith.constant 1 : i32
          %swap3A_218 = arith.constant 0 : i32
          %swap3A_219 = arith.index_cast %swap3A_217 : i32 to index
          %swap3A_220 = arith.index_cast %swap3A_218 : i32 to index
          %swap3A_221 = arith.index_cast %add3A_201 : i32 to index
          %swap3A_222 = arith.constant 16 : index
          %swap3A_223 = tpu.vector_load %arg8[%swap3A_219, %swap3A_220, %swap3A_221, %swap3A_222] {strides = array<i32>} : memref<2x1x200x64xf32, #tpu.memory_space<vmem>>, vector<16xf32>,
          tpu.vector_store %arg8[%swap3A_219, %swap3A_220, %swap3A_221, %swap3A_222], %get3A_216 {strides = array<i32>} : memref<2x1x200x64xf32, #tpu.memory_space<vmem>>, vector<16xf32>,
          %get3A_224 = arith.constant 1 : i32
          %get3A_225 = arith.index_cast %get3A_224 : i32 to index
          %get3A_226 = arith.index_cast %add3A_201 : i32 to index
          %get3A_227 = arith.constant 32 : index
          %get3A_228 = tpu.vector_load %arg7[%get3A_225, %get3A_226, %get3A_227] {strides = array<i32>} : memref<2x200x128xf32, #tpu.memory_space<vmem>>, vector<16xf32>,
          %swap3A_229 = arith.constant 1 : i32
          %swap3A_230 = arith.constant 0 : i32
          %swap3A_231 = arith.index_cast %swap3A_229 : i32 to index
          %swap3A_232 = arith.index_cast %swap3A_230 : i32 to index
          %swap3A_233 = arith.index_cast %add3A_201 : i32 to index
          %swap3A_234 = arith.constant 32 : index
          %swap3A_235 = tpu.vector_load %arg8[%swap3A_231, %swap3A_232, %swap3A_233, %swap3A_234] {strides = array<i32>} : memref<2x1x200x64xf32, #tpu.memory_space<vmem>>, vector<16xf32>,
          tpu.vector_store %arg8[%swap3A_231, %swap3A_232, %swap3A_233, %swap3A_234], %get3A_228 {strides = array<i32>} : memref<2x1x200x64xf32, #tpu.memory_space<vmem>>, vector<16xf32>,
          %get3A_236 = arith.constant 1 : i32
          %get3A_237 = arith.index_cast %get3A_236 : i32 to index
          %get3A_238 = arith.index_cast %add3A_201 : i32 to index
          %get3A_239 = arith.constant 48 : index
          %get3A_240 = tpu.vector_load %arg7[%get3A_237, %get3A_238, %get3A_239] {strides = array<i32>} : memref<2x200x128xf32, #tpu.memory_space<vmem>>, vector<16xf32>,
          %swap3A_241 = arith.constant 1 : i32
          %swap3A_242 = arith.constant 0 : i32
          %swap3A_243 = arith.index_cast %swap3A_241 : i32 to index
          %swap3A_244 = arith.index_cast %swap3A_242 : i32 to index
          %swap3A_245 = arith.index_cast %add3A_201 : i32 to index
          %swap3A_246 = arith.constant 48 : index
          %swap3A_247 = tpu.vector_load %arg8[%swap3A_243, %swap3A_244, %swap3A_245, %swap3A_246] {strides = array<i32>} : memref<2x1x200x64xf32, #tpu.memory_space<vmem>>, vector<16xf32>,
          tpu.vector_store %arg8[%swap3A_243, %swap3A_244, %swap3A_245, %swap3A_246], %get3A_240 {strides = array<i32>} : memref<2x1x200x64xf32, #tpu.memory_space<vmem>>, vector<16xf32>,
          %mul3A_248 = arith.constant 4 : i32
          %mul3A_249 = arith.muli %scan3A_197, %mul3A_248 : i32
          %add3A_250 = arith.constant 1 : i32
          %add3A_251 = arith.addi %mul3A_249, %add3A_250 : i32
          %get3A_252 = arith.constant 1 : i32
          %get3A_253 = arith.index_cast %get3A_252 : i32 to index
          %get3A_254 = arith.index_cast %add3A_251 : i32 to index
          %get3A_255 = arith.constant 0 : index
          %get3A_256 = tpu.vector_load %arg7[%get3A_253, %get3A_254, %get3A_255] {strides = array<i32>} : memref<2x200x128xf32, #tpu.memory_space<vmem>>, vector<16xf32>,
          %swap3A_257 = arith.constant 1 : i32
          %swap3A_258 = arith.constant 0 : i32
          %swap3A_259 = arith.index_cast %swap3A_257 : i32 to index
          %swap3A_260 = arith.index_cast %swap3A_258 : i32 to index
          %swap3A_261 = arith.index_cast %add3A_251 : i32 to index
          %swap3A_262 = arith.constant 0 : index
          %swap3A_263 = tpu.vector_load %arg8[%swap3A_259, %swap3A_260, %swap3A_261, %swap3A_262] {strides = array<i32>} : memref<2x1x200x64xf32, #tpu.memory_space<vmem>>, vector<16xf32>,
          tpu.vector_store %arg8[%swap3A_259, %swap3A_260, %swap3A_261, %swap3A_262], %get3A_256 {strides = array<i32>} : memref<2x1x200x64xf32, #tpu.memory_space<vmem>>, vector<16xf32>,
          %get3A_264 = arith.constant 1 : i32
          %get3A_265 = arith.index_cast %get3A_264 : i32 to index
          %get3A_266 = arith.index_cast %add3A_251 : i32 to index
          %get3A_267 = arith.constant 16 : index
          %get3A_268 = tpu.vector_load %arg7[%get3A_265, %get3A_266, %get3A_267] {strides = array<i32>} : memref<2x200x128xf32, #tpu.memory_space<vmem>>, vector<16xf32>,
          %swap3A_269 = arith.constant 1 : i32
          %swap3A_270 = arith.constant 0 : i32
          %swap3A_271 = arith.index_cast %swap3A_269 : i32 to index
          %swap3A_272 = arith.index_cast %swap3A_270 : i32 to index
          %swap3A_273 = arith.index_cast %add3A_251 : i32 to index
          %swap3A_274 = arith.constant 16 : index
          %swap3A_275 = tpu.vector_load %arg8[%swap3A_271, %swap3A_272, %swap3A_273, %swap3A_274] {strides = array<i32>} : memref<2x1x200x64xf32, #tpu.memory_space<vmem>>, vector<16xf32>,
          tpu.vector_store %arg8[%swap3A_271, %swap3A_272, %swap3A_273, %swap3A_274], %get3A_268 {strides = array<i32>} : memref<2x1x200x64xf32, #tpu.memory_space<vmem>>, vector<16xf32>,
          %get3A_276 = arith.constant 1 : i32
          %get3A_277 = arith.index_cast %get3A_276 : i32 to index
          %get3A_278 = arith.index_cast %add3A_251 : i32 to index
          %get3A_279 = arith.constant 32 : index
          %get3A_280 = tpu.vector_load %arg7[%get3A_277, %get3A_278, %get3A_279] {strides = array<i32>} : memref<2x200x128xf32, #tpu.memory_space<vmem>>, vector<16xf32>,
          %swap3A_281 = arith.constant 1 : i32
          %swap3A_282 = arith.constant 0 : i32
          %swap3A_283 = arith.index_cast %swap3A_281 : i32 to index
          %swap3A_284 = arith.index_cast %swap3A_282 : i32 to index
          %swap3A_285 = arith.index_cast %add3A_251 : i32 to index
          %swap3A_286 = arith.constant 32 : index
          %swap3A_287 = tpu.vector_load %arg8[%swap3A_283, %swap3A_284, %swap3A_285, %swap3A_286] {strides = array<i32>} : memref<2x1x200x64xf32, #tpu.memory_space<vmem>>, vector<16xf32>,
          tpu.vector_store %arg8[%swap3A_283, %swap3A_284, %swap3A_285, %swap3A_286], %get3A_280 {strides = array<i32>} : memref<2x1x200x64xf32, #tpu.memory_space<vmem>>, vector<16xf32>,
          %get3A_288 = arith.constant 1 : i32
          %get3A_289 = arith.index_cast %get3A_288 : i32 to index
          %get3A_290 = arith.index_cast %add3A_251 : i32 to index
          %get3A_291 = arith.constant 48 : index
          %get3A_292 = tpu.vector_load %arg7[%get3A_289, %get3A_290, %get3A_291] {strides = array<i32>} : memref<2x200x128xf32, #tpu.memory_space<vmem>>, vector<16xf32>,
          %swap3A_293 = arith.constant 1 : i32
          %swap3A_294 = arith.constant 0 : i32
          %swap3A_295 = arith.index_cast %swap3A_293 : i32 to index
          %swap3A_296 = arith.index_cast %swap3A_294 : i32 to index
          %swap3A_297 = arith.index_cast %add3A_251 : i32 to index
          %swap3A_298 = arith.constant 48 : index
          %swap3A_299 = tpu.vector_load %arg8[%swap3A_295, %swap3A_296, %swap3A_297, %swap3A_298] {strides = array<i32>} : memref<2x1x200x64xf32, #tpu.memory_space<vmem>>, vector<16xf32>,
          tpu.vector_store %arg8[%swap3A_295, %swap3A_296, %swap3A_297, %swap3A_298], %get3A_292 {strides = array<i32>} : memref<2x1x200x64xf32, #tpu.memory_space<vmem>>, vector<16xf32>,
          %mul3A_300 = arith.constant 4 : i32
          %mul3A_301 = arith.muli %scan3A_197, %mul3A_300 : i32
          %add3A_302 = arith.constant 2 : i32
          %add3A_303 = arith.addi %mul3A_301, %add3A_302 : i32
          %get3A_304 = arith.constant 1 : i32
          %get3A_305 = arith.index_cast %get3A_304 : i32 to index
          %get3A_306 = arith.index_cast %add3A_303 : i32 to index
          %get3A_307 = arith.constant 0 : index
          %get3A_308 = tpu.vector_load %arg7[%get3A_305, %get3A_306, %get3A_307] {strides = array<i32>} : memref<2x200x128xf32, #tpu.memory_space<vmem>>, vector<16xf32>,
          %swap3A_309 = arith.constant 1 : i32
          %swap3A_310 = arith.constant 0 : i32
          %swap3A_311 = arith.index_cast %swap3A_309 : i32 to index
          %swap3A_312 = arith.index_cast %swap3A_310 : i32 to index
          %swap3A_313 = arith.index_cast %add3A_303 : i32 to index
          %swap3A_314 = arith.constant 0 : index
          %swap3A_315 = tpu.vector_load %arg8[%swap3A_311, %swap3A_312, %swap3A_313, %swap3A_314] {strides = array<i32>} : memref<2x1x200x64xf32, #tpu.memory_space<vmem>>, vector<16xf32>,
          tpu.vector_store %arg8[%swap3A_311, %swap3A_312, %swap3A_313, %swap3A_314], %get3A_308 {strides = array<i32>} : memref<2x1x200x64xf32, #tpu.memory_space<vmem>>, vector<16xf32>,
          %get3A_316 = arith.constant 1 : i32
          %get3A_317 = arith.index_cast %get3A_316 : i32 to index
          %get3A_318 = arith.index_cast %add3A_303 : i32 to index
          %get3A_319 = arith.constant 16 : index
          %get3A_320 = tpu.vector_load %arg7[%get3A_317, %get3A_318, %get3A_319] {strides = array<i32>} : memref<2x200x128xf32, #tpu.memory_space<vmem>>, vector<16xf32>,
          %swap3A_321 = arith.constant 1 : i32
          %swap3A_322 = arith.constant 0 : i32
          %swap3A_323 = arith.index_cast %swap3A_321 : i32 to index
          %swap3A_324 = arith.index_cast %swap3A_322 : i32 to index
          %swap3A_325 = arith.index_cast %add3A_303 : i32 to index
          %swap3A_326 = arith.constant 16 : index
          %swap3A_327 = tpu.vector_load %arg8[%swap3A_323, %swap3A_324, %swap3A_325, %swap3A_326] {strides = array<i32>} : memref<2x1x200x64xf32, #tpu.memory_space<vmem>>, vector<16xf32>,
          tpu.vector_store %arg8[%swap3A_323, %swap3A_324, %swap3A_325, %swap3A_326], %get3A_320 {strides = array<i32>} : memref<2x1x200x64xf32, #tpu.memory_space<vmem>>, vector<16xf32>,
          %get3A_328 = arith.constant 1 : i32
          %get3A_329 = arith.index_cast %get3A_328 : i32 to index
          %get3A_330 = arith.index_cast %add3A_303 : i32 to index
          %get3A_331 = arith.constant 32 : index
          %get3A_332 = tpu.vector_load %arg7[%get3A_329, %get3A_330, %get3A_331] {strides = array<i32>} : memref<2x200x128xf32, #tpu.memory_space<vmem>>, vector<16xf32>,
          %swap3A_333 = arith.constant 1 : i32
          %swap3A_334 = arith.constant 0 : i32
          %swap3A_335 = arith.index_cast %swap3A_333 : i32 to index
          %swap3A_336 = arith.index_cast %swap3A_334 : i32 to index
          %swap3A_337 = arith.index_cast %add3A_303 : i32 to index
          %swap3A_338 = arith.constant 32 : index
          %swap3A_339 = tpu.vector_load %arg8[%swap3A_335, %swap3A_336, %swap3A_337, %swap3A_338] {strides = array<i32>} : memref<2x1x200x64xf32, #tpu.memory_space<vmem>>, vector<16xf32>,
          tpu.vector_store %arg8[%swap3A_335, %swap3A_336, %swap3A_337, %swap3A_338], %get3A_332 {strides = array<i32>} : memref<2x1x200x64xf32, #tpu.memory_space<vmem>>, vector<16xf32>,
          %get3A_340 = arith.constant 1 : i32
          %get3A_341 = arith.index_cast %get3A_340 : i32 to index
          %get3A_342 = arith.index_cast %add3A_303 : i32 to index
          %get3A_343 = arith.constant 48 : index
          %get3A_344 = tpu.vector_load %arg7[%get3A_341, %get3A_342, %get3A_343] {strides = array<i32>} : memref<2x200x128xf32, #tpu.memory_space<vmem>>, vector<16xf32>,
          %swap3A_345 = arith.constant 1 : i32
          %swap3A_346 = arith.constant 0 : i32
          %swap3A_347 = arith.index_cast %swap3A_345 : i32 to index
          %swap3A_348 = arith.index_cast %swap3A_346 : i32 to index
          %swap3A_349 = arith.index_cast %add3A_303 : i32 to index
          %swap3A_350 = arith.constant 48 : index
          %swap3A_351 = tpu.vector_load %arg8[%swap3A_347, %swap3A_348, %swap3A_349, %swap3A_350] {strides = array<i32>} : memref<2x1x200x64xf32, #tpu.memory_space<vmem>>, vector<16xf32>,
          tpu.vector_store %arg8[%swap3A_347, %swap3A_348, %swap3A_349, %swap3A_350], %get3A_344 {strides = array<i32>} : memref<2x1x200x64xf32, #tpu.memory_space<vmem>>, vector<16xf32>,
          %mul3A_352 = arith.constant 4 : i32
          %mul3A_353 = arith.muli %scan3A_197, %mul3A_352 : i32
          %add3A_354 = arith.constant 3 : i32
          %add3A_355 = arith.addi %mul3A_353, %add3A_354 : i32
          %get3A_356 = arith.constant 1 : i32
          %get3A_357 = arith.index_cast %get3A_356 : i32 to index
          %get3A_358 = arith.index_cast %add3A_355 : i32 to index
          %get3A_359 = arith.constant 0 : index
          %get3A_360 = tpu.vector_load %arg7[%get3A_357, %get3A_358, %get3A_359] {strides = array<i32>} : memref<2x200x128xf32, #tpu.memory_space<vmem>>, vector<16xf32>,
          %swap3A_361 = arith.constant 1 : i32
          %swap3A_362 = arith.constant 0 : i32
          %swap3A_363 = arith.index_cast %swap3A_361 : i32 to index
          %swap3A_364 = arith.index_cast %swap3A_362 : i32 to index
          %swap3A_365 = arith.index_cast %add3A_355 : i32 to index
          %swap3A_366 = arith.constant 0 : index
          %swap3A_367 = tpu.vector_load %arg8[%swap3A_363, %swap3A_364, %swap3A_365, %swap3A_366] {strides = array<i32>} : memref<2x1x200x64xf32, #tpu.memory_space<vmem>>, vector<16xf32>,
          tpu.vector_store %arg8[%swap3A_363, %swap3A_364, %swap3A_365, %swap3A_366], %get3A_360 {strides = array<i32>} : memref<2x1x200x64xf32, #tpu.memory_space<vmem>>, vector<16xf32>,
          %get3A_368 = arith.constant 1 : i32
          %get3A_369 = arith.index_cast %get3A_368 : i32 to index
          %get3A_370 = arith.index_cast %add3A_355 : i32 to index
          %get3A_371 = arith.constant 16 : index
          %get3A_372 = tpu.vector_load %arg7[%get3A_369, %get3A_370, %get3A_371] {strides = array<i32>} : memref<2x200x128xf32, #tpu.memory_space<vmem>>, vector<16xf32>,
          %swap3A_373 = arith.constant 1 : i32
          %swap3A_374 = arith.constant 0 : i32
          %swap3A_375 = arith.index_cast %swap3A_373 : i32 to index
          %swap3A_376 = arith.index_cast %swap3A_374 : i32 to index
          %swap3A_377 = arith.index_cast %add3A_355 : i32 to index
          %swap3A_378 = arith.constant 16 : index
          %swap3A_379 = tpu.vector_load %arg8[%swap3A_375, %swap3A_376, %swap3A_377, %swap3A_378] {strides = array<i32>} : memref<2x1x200x64xf32, #tpu.memory_space<vmem>>, vector<16xf32>,
          tpu.vector_store %arg8[%swap3A_375, %swap3A_376, %swap3A_377, %swap3A_378], %get3A_372 {strides = array<i32>} : memref<2x1x200x64xf32, #tpu.memory_space<vmem>>, vector<16xf32>,
          %get3A_380 = arith.constant 1 : i32
          %get3A_381 = arith.index_cast %get3A_380 : i32 to index
          %get3A_382 = arith.index_cast %add3A_355 : i32 to index
          %get3A_383 = arith.constant 32 : index
          %get3A_384 = tpu.vector_load %arg7[%get3A_381, %get3A_382, %get3A_383] {strides = array<i32>} : memref<2x200x128xf32, #tpu.memory_space<vmem>>, vector<16xf32>,
          %swap3A_385 = arith.constant 1 : i32
          %swap3A_386 = arith.constant 0 : i32
          %swap3A_387 = arith.index_cast %swap3A_385 : i32 to index
          %swap3A_388 = arith.index_cast %swap3A_386 : i32 to index
          %swap3A_389 = arith.index_cast %add3A_355 : i32 to index
          %swap3A_390 = arith.constant 32 : index
          %swap3A_391 = tpu.vector_load %arg8[%swap3A_387, %swap3A_388, %swap3A_389, %swap3A_390] {strides = array<i32>} : memref<2x1x200x64xf32, #tpu.memory_space<vmem>>, vector<16xf32>,
          tpu.vector_store %arg8[%swap3A_387, %swap3A_388, %swap3A_389, %swap3A_390], %get3A_384 {strides = array<i32>} : memref<2x1x200x64xf32, #tpu.memory_space<vmem>>, vector<16xf32>,
          %get3A_392 = arith.constant 1 : i32
          %get3A_393 = arith.index_cast %get3A_392 : i32 to index
          %get3A_394 = arith.index_cast %add3A_355 : i32 to index
          %get3A_395 = arith.constant 48 : index
          %get3A_396 = tpu.vector_load %arg7[%get3A_393, %get3A_394, %get3A_395] {strides = array<i32>} : memref<2x200x128xf32, #tpu.memory_space<vmem>>, vector<16xf32>,
          %swap3A_397 = arith.constant 1 : i32
          %swap3A_398 = arith.constant 0 : i32
          %swap3A_399 = arith.index_cast %swap3A_397 : i32 to index
          %swap3A_400 = arith.index_cast %swap3A_398 : i32 to index
          %swap3A_401 = arith.index_cast %add3A_355 : i32 to index
          %swap3A_402 = arith.constant 48 : index
          %swap3A_403 = tpu.vector_load %arg8[%swap3A_399, %swap3A_400, %swap3A_401, %swap3A_402] {strides = array<i32>} : memref<2x1x200x64xf32, #tpu.memory_space<vmem>>, vector<16xf32>,
          tpu.vector_store %arg8[%swap3A_399, %swap3A_400, %swap3A_401, %swap3A_402], %get3A_396 {strides = array<i32>} : memref<2x1x200x64xf32, #tpu.memory_space<vmem>>, vector<16xf32>,
        }
        %scan3A_171 = arith.constant 50 : i32
        %sub3A = arith.constant 1 : i32
        %sub3A_172 = arith.subi %add3A_113, %sub3A : i32
        %add3A_173 = arith.addi %mul3A_2, %sub3A_172 : i32
        %dma_start3A_174 = arith.constant 1 : i32
        %dma_start3A_175 = arith.constant 0 : i32
        %dma_start3A_176 = arith.constant 0 : i32
        %dma_start3A_177 = arith.constant 0 : i32
        %dma_start3A_178 = tpu.memref_slice %arg8[%dma_start3A_174, %dma_start3A_175, %dma_start3A_176, %dma_start3A_177] : memref<2x1x200x64xf32, #tpu.memory_space<vmem>> -> memref<1x1x200x64xf32, #tpu.memory_space<vmem>>
        %dma_start3A_179 = tpu.memref_squeeze %dma_start3A_178 : memref<1x1x200x64xf32, #tpu.memory_space<vmem>> -> memref<1x200x64xf32, #tpu.memory_space<vmem>>
        %dma_start3A_180 = arith.constant 0 : i32
        %dma_start3A_181 = arith.constant 0 : i32
        %dma_start3A_182 = tpu.memref_slice %arg4[%add3A_173, %dma_start3A_180, %dma_start3A_181] : memref<4096x200x64xf32, #tpu.memory_space<hbm>> -> memref<1x200x64xf32, #tpu.memory_space<hbm>>
        %dma_start3A_183 = arith.constant 0 : i32
        %dma_start3A_184 = arith.constant 0 : i32
        %dma_start3A_185 = tpu.memref_slice %arg4[%add3A_173, %dma_start3A_183, %dma_start3A_184] : memref<4096x200x64xf32, #tpu.memory_space<hbm>> -> memref<1x200x64xf32, #tpu.memory_space<hbm>>
        %dma_start3A_186 = arith.constant 0 : i32
        %dma_start3A_187 = arith.constant 0 : i32
        %dma_start3A_188 = arith.constant 0 : i32
        %dma_start3A_189 = tpu.memref_slice %arg8[%dma_start3A_174, %dma_start3A_186, %dma_start3A_187, %dma_start3A_188] : memref<2x1x200x64xf32, #tpu.memory_space<vmem>> -> memref<1x1x200x64xf32, #tpu.memory_space<vmem>>
        %dma_start3A_190 = tpu.memref_squeeze %dma_start3A_189 : memref<1x1x200x64xf32, #tpu.memory_space<vmem>> -> memref<1x200x64xf32, #tpu.memory_space<vmem>>
        tpu.enqueue_dma source(%dma_start3A_190 : memref<1x200x64xf32, #tpu.memory_space<vmem>>) target(%dma_start3A_185 : memref<1x200x64xf32, #tpu.memory_space<hbm>>) target_semaphore(%arg14 : memref<!tpu.dma_semaphore, #tpu.memory_space<semaphore_mem>>)
        %add3A_191 = arith.constant 1 : i32
        %add3A_192 = arith.addi %add3A_113, %add3A_191 : i32
        %lt3A = arith.constant 128 : i32
        %lt3A_193 = arith.cmpi slt, %add3A_192, %lt3A : i32
        %convert_element_type3A_194 = arith.extui %lt3A_193 : i1 to i32
        %cond3A_195 = arith.constant 0 : i32
        %cond3A_196 = arith.cmpi ne, %convert_element_type3A_194, %cond3A_195 : i32
        scf.if %cond3A_196 {
          %add3A_197 = arith.constant 1 : i32
          %add3A_198 = arith.addi %add3A_113, %add3A_197 : i32
          %add3A_199 = arith.addi %mul3A_2, %add3A_198 : i32
          %mul3A_200 = arith.constant 200 : i32
          %mul3A_201 = arith.muli %add3A_199, %mul3A_200 : i32
          %multiple_of3A_202 = tpu.assume_multiple %mul3A_201, 8 : i32
          %dma_start3A_203 = tpu.memref_slice %arg3[%multiple_of3A_202] : memref<819200xi32, #tpu.memory_space<hbm>> -> memref<200xi32, #tpu.memory_space<hbm>>
          %dma_start3A_204 = tpu.memref_slice %arg3[%multiple_of3A_202] : memref<819200xi32, #tpu.memory_space<hbm>> -> memref<200xi32, #tpu.memory_space<hbm>>
          tpu.enqueue_dma source(%dma_start3A_204 : memref<200xi32, #tpu.memory_space<hbm>>) target(%arg6 : memref<200xi32, #tpu.memory_space<vmem>>) target_semaphore(%arg10 : memref<!tpu.dma_semaphore, #tpu.memory_space<semaphore_mem>>)
        } else {
        }
      } else {
      }
      %mul3A_130 = arith.constant 2 : i32
      %mul3A_131 = arith.muli %scan3A_109, %mul3A_130 : i32
      %add3A_132 = arith.constant 1 : i32
      %add3A_133 = arith.addi %mul3A_131, %add3A_132 : i32
      %add3A_134 = arith.addi %mul3A_2, %add3A_133 : i32
      %mul3A_135 = arith.constant 200 : i32
      %mul3A_136 = arith.muli %add3A_134, %mul3A_135 : i32
      %multiple_of3A_137 = tpu.assume_multiple %mul3A_136, 8 : i32
      %dma_wait3A_138 = tpu.memref_slice %arg3[%multiple_of3A_137] : memref<819200xi32, #tpu.memory_space<hbm>> -> memref<200xi32, #tpu.memory_space<hbm>>
      %dma_wait3A_139 = tpu.memref_slice %arg3[%multiple_of3A_137] : memref<819200xi32, #tpu.memory_space<hbm>> -> memref<200xi32, #tpu.memory_space<hbm>>
      tpu.wait_dma2 semaphore(%arg10 : memref<!tpu.dma_semaphore, #tpu.memory_space<semaphore_mem>>) src(%dma_wait3A_139 : memref<200xi32, #tpu.memory_space<hbm>>) dst(%arg6 : memref<200xi32, #tpu.memory_space<vmem>>)
      %dma_start3A_140 = arith.constant 1 : i32
      %dma_start3A_141 = arith.constant 0 : i32
      %dma_start3A_142 = arith.constant 0 : i32
      %dma_start3A_143 = tpu.memref_slice %arg7[%dma_start3A_140, %dma_start3A_141, %dma_start3A_142] : memref<2x200x128xf32, #tpu.memory_space<vmem>> -> memref<1x200x128xf32, #tpu.memory_space<vmem>>
      %dma_start3A_144 = tpu.memref_squeeze %dma_start3A_143 : memref<1x200x128xf32, #tpu.memory_space<vmem>> -> memref<200x128xf32, #tpu.memory_space<vmem>>
      %dma_start3A_145 = arith.constant 0 : i32
      %dma_start3A_146 = arith.constant 0 : i32
      %dma_start3A_147 = tpu.memref_slice %arg2[%dma_start3A_145, %dma_start3A_146] : memref<1000000x128xf32, #tpu.memory_space<hbm>> -> memref<1000000x128xf32, #tpu.memory_space<hbm>>
      tpu.enqueue_indirect_dma source(%dma_start3A_147 : memref<1000000x128xf32, #tpu.memory_space<hbm>>) target(%dma_start3A_144 : memref<200x128xf32, #tpu.memory_space<vmem>>) offsets(%arg6 : memref<200xi32, #tpu.memory_space<vmem>>) semaphore(%arg12 : memref<!tpu.dma_semaphore, #tpu.memory_space<semaphore_mem>>)
      %gt3A_148 = arith.constant 0 : i32
      %gt3A_149 = arith.cmpi sgt, %add3A_133, %gt3A_148 : i32
      %convert_element_type3A_150 = arith.extui %gt3A_149 : i1 to i32
      %cond3A_151 = arith.constant 0 : i32
      %cond3A_152 = arith.cmpi ne, %convert_element_type3A_150, %cond3A_151 : i32
      scf.if %cond3A_152 {
        %dma_wait3A_153 = arith.constant 0 : i32
        %dma_wait3A_154 = arith.constant 0 : i32
        %dma_wait3A_155 = arith.constant 0 : i32
        %dma_wait3A_156 = tpu.memref_slice %arg7[%dma_wait3A_153, %dma_wait3A_154, %dma_wait3A_155] : memref<2x200x128xf32, #tpu.memory_space<vmem>> -> memref<1x200x128xf32, #tpu.memory_space<vmem>>
        %dma_wait3A_157 = tpu.memref_squeeze %dma_wait3A_156 : memref<1x200x128xf32, #tpu.memory_space<vmem>> -> memref<200x128xf32, #tpu.memory_space<vmem>>
        %dma_wait3A_158 = arith.constant 0 : i32
        %dma_wait3A_159 = arith.constant 0 : i32
        %dma_wait3A_160 = tpu.memref_slice %arg2[%dma_wait3A_158, %dma_wait3A_159] : memref<1000000x128xf32, #tpu.memory_space<hbm>> -> memref<1000000x128xf32, #tpu.memory_space<hbm>>
        tpu.wait_indirect_dma semaphore(%arg11 : memref<!tpu.dma_semaphore, #tpu.memory_space<semaphore_mem>>) src(%dma_wait3A_160 : memref<1000000x128xf32, #tpu.memory_space<hbm>>) dst(%dma_wait3A_157 : memref<200x128xf32, #tpu.memory_space<vmem>>)
        %gt3A_161 = arith.constant 2 : i32
        %gt3A_162 = arith.cmpi sgt, %add3A_133, %gt3A_161 : i32
        %convert_element_type3A_163 = arith.extui %gt3A_162 : i1 to i32
        %cond3A_164 = arith.constant 0 : i32
        %cond3A_165 = arith.cmpi ne, %convert_element_type3A_163, %cond3A_164 : i32
        scf.if %cond3A_165 {
          %sub3A_197 = arith.constant 3 : i32
          %sub3A_198 = arith.subi %add3A_133, %sub3A_197 : i32
          %add3A_199 = arith.addi %mul3A_2, %sub3A_198 : i32
          %dma_wait3A_200 = arith.constant 0 : i32
          %dma_wait3A_201 = arith.constant 0 : i32
          %dma_wait3A_202 = arith.constant 0 : i32
          %dma_wait3A_203 = arith.constant 0 : i32
          %dma_wait3A_204 = tpu.memref_slice %arg8[%dma_wait3A_200, %dma_wait3A_201, %dma_wait3A_202, %dma_wait3A_203] : memref<2x1x200x64xf32, #tpu.memory_space<vmem>> -> memref<1x1x200x64xf32, #tpu.memory_space<vmem>>
          %dma_wait3A_205 = tpu.memref_squeeze %dma_wait3A_204 : memref<1x1x200x64xf32, #tpu.memory_space<vmem>> -> memref<1x200x64xf32, #tpu.memory_space<vmem>>
          %dma_wait3A_206 = arith.constant 0 : i32
          %dma_wait3A_207 = arith.constant 0 : i32
          %dma_wait3A_208 = tpu.memref_slice %arg4[%add3A_199, %dma_wait3A_206, %dma_wait3A_207] : memref<4096x200x64xf32, #tpu.memory_space<hbm>> -> memref<1x200x64xf32, #tpu.memory_space<hbm>>
          %dma_wait3A_209 = arith.constant 0 : i32
          %dma_wait3A_210 = arith.constant 0 : i32
          %dma_wait3A_211 = tpu.memref_slice %arg4[%add3A_199, %dma_wait3A_209, %dma_wait3A_210] : memref<4096x200x64xf32, #tpu.memory_space<hbm>> -> memref<1x200x64xf32, #tpu.memory_space<hbm>>
          %dma_wait3A_212 = arith.constant 0 : i32
          %dma_wait3A_213 = arith.constant 0 : i32
          %dma_wait3A_214 = arith.constant 0 : i32
          %dma_wait3A_215 = tpu.memref_slice %arg8[%dma_wait3A_200, %dma_wait3A_212, %dma_wait3A_213, %dma_wait3A_214] : memref<2x1x200x64xf32, #tpu.memory_space<vmem>> -> memref<1x1x200x64xf32, #tpu.memory_space<vmem>>
          %dma_wait3A_216 = tpu.memref_squeeze %dma_wait3A_215 : memref<1x1x200x64xf32, #tpu.memory_space<vmem>> -> memref<1x200x64xf32, #tpu.memory_space<vmem>>
          tpu.wait_dma2 semaphore(%arg13 : memref<!tpu.dma_semaphore, #tpu.memory_space<semaphore_mem>>) src(%dma_wait3A_216 : memref<1x200x64xf32, #tpu.memory_space<vmem>>) dst(%dma_wait3A_211 : memref<1x200x64xf32, #tpu.memory_space<hbm>>)
        } else {
        }
        %scan3A_166 = arith.constant 0 : i32
        %scan3A_167 = arith.constant 0 : i32
        %scan3A_168 = arith.constant 50 : i32
        %scan3A_169 = arith.addi %scan3A_167, %scan3A_168 : i32
        %scan3A_170 = arith.constant 1 : i32
        scf.for %scan3A_197 = %scan3A_167 to %scan3A_169 step %scan3A_170  : i32 {
          %mul3A_198 = arith.constant 4 : i32
          %mul3A_199 = arith.muli %scan3A_197, %mul3A_198 : i32
          %add3A_200 = arith.constant 0 : i32
          %add3A_201 = arith.addi %mul3A_199, %add3A_200 : i32
          %get3A = arith.constant 0 : i32
          %get3A_202 = arith.index_cast %get3A : i32 to index
          %get3A_203 = arith.index_cast %add3A_201 : i32 to index
          %get3A_204 = arith.constant 0 : index
          %get3A_205 = tpu.vector_load %arg7[%get3A_202, %get3A_203, %get3A_204] {strides = array<i32>} : memref<2x200x128xf32, #tpu.memory_space<vmem>>, vector<16xf32>,
          %swap3A = arith.constant 0 : i32
          %swap3A_206 = arith.constant 0 : i32
          %swap3A_207 = arith.index_cast %swap3A : i32 to index
          %swap3A_208 = arith.index_cast %swap3A_206 : i32 to index
          %swap3A_209 = arith.index_cast %add3A_201 : i32 to index
          %swap3A_210 = arith.constant 0 : index
          %swap3A_211 = tpu.vector_load %arg8[%swap3A_207, %swap3A_208, %swap3A_209, %swap3A_210] {strides = array<i32>} : memref<2x1x200x64xf32, #tpu.memory_space<vmem>>, vector<16xf32>,
          tpu.vector_store %arg8[%swap3A_207, %swap3A_208, %swap3A_209, %swap3A_210], %get3A_205 {strides = array<i32>} : memref<2x1x200x64xf32, #tpu.memory_space<vmem>>, vector<16xf32>,
          %get3A_212 = arith.constant 0 : i32
          %get3A_213 = arith.index_cast %get3A_212 : i32 to index
          %get3A_214 = arith.index_cast %add3A_201 : i32 to index
          %get3A_215 = arith.constant 16 : index
          %get3A_216 = tpu.vector_load %arg7[%get3A_213, %get3A_214, %get3A_215] {strides = array<i32>} : memref<2x200x128xf32, #tpu.memory_space<vmem>>, vector<16xf32>,
          %swap3A_217 = arith.constant 0 : i32
          %swap3A_218 = arith.constant 0 : i32
          %swap3A_219 = arith.index_cast %swap3A_217 : i32 to index
          %swap3A_220 = arith.index_cast %swap3A_218 : i32 to index
          %swap3A_221 = arith.index_cast %add3A_201 : i32 to index
          %swap3A_222 = arith.constant 16 : index
          %swap3A_223 = tpu.vector_load %arg8[%swap3A_219, %swap3A_220, %swap3A_221, %swap3A_222] {strides = array<i32>} : memref<2x1x200x64xf32, #tpu.memory_space<vmem>>, vector<16xf32>,
          tpu.vector_store %arg8[%swap3A_219, %swap3A_220, %swap3A_221, %swap3A_222], %get3A_216 {strides = array<i32>} : memref<2x1x200x64xf32, #tpu.memory_space<vmem>>, vector<16xf32>,
          %get3A_224 = arith.constant 0 : i32
          %get3A_225 = arith.index_cast %get3A_224 : i32 to index
          %get3A_226 = arith.index_cast %add3A_201 : i32 to index
          %get3A_227 = arith.constant 32 : index
          %get3A_228 = tpu.vector_load %arg7[%get3A_225, %get3A_226, %get3A_227] {strides = array<i32>} : memref<2x200x128xf32, #tpu.memory_space<vmem>>, vector<16xf32>,
          %swap3A_229 = arith.constant 0 : i32
          %swap3A_230 = arith.constant 0 : i32
          %swap3A_231 = arith.index_cast %swap3A_229 : i32 to index
          %swap3A_232 = arith.index_cast %swap3A_230 : i32 to index
          %swap3A_233 = arith.index_cast %add3A_201 : i32 to index
          %swap3A_234 = arith.constant 32 : index
          %swap3A_235 = tpu.vector_load %arg8[%swap3A_231, %swap3A_232, %swap3A_233, %swap3A_234] {strides = array<i32>} : memref<2x1x200x64xf32, #tpu.memory_space<vmem>>, vector<16xf32>,
          tpu.vector_store %arg8[%swap3A_231, %swap3A_232, %swap3A_233, %swap3A_234], %get3A_228 {strides = array<i32>} : memref<2x1x200x64xf32, #tpu.memory_space<vmem>>, vector<16xf32>,
          %get3A_236 = arith.constant 0 : i32
          %get3A_237 = arith.index_cast %get3A_236 : i32 to index
          %get3A_238 = arith.index_cast %add3A_201 : i32 to index
          %get3A_239 = arith.constant 48 : index
          %get3A_240 = tpu.vector_load %arg7[%get3A_237, %get3A_238, %get3A_239] {strides = array<i32>} : memref<2x200x128xf32, #tpu.memory_space<vmem>>, vector<16xf32>,
          %swap3A_241 = arith.constant 0 : i32
          %swap3A_242 = arith.constant 0 : i32
          %swap3A_243 = arith.index_cast %swap3A_241 : i32 to index
          %swap3A_244 = arith.index_cast %swap3A_242 : i32 to index
          %swap3A_245 = arith.index_cast %add3A_201 : i32 to index
          %swap3A_246 = arith.constant 48 : index
          %swap3A_247 = tpu.vector_load %arg8[%swap3A_243, %swap3A_244, %swap3A_245, %swap3A_246] {strides = array<i32>} : memref<2x1x200x64xf32, #tpu.memory_space<vmem>>, vector<16xf32>,
          tpu.vector_store %arg8[%swap3A_243, %swap3A_244, %swap3A_245, %swap3A_246], %get3A_240 {strides = array<i32>} : memref<2x1x200x64xf32, #tpu.memory_space<vmem>>, vector<16xf32>,
          %mul3A_248 = arith.constant 4 : i32
          %mul3A_249 = arith.muli %scan3A_197, %mul3A_248 : i32
          %add3A_250 = arith.constant 1 : i32
          %add3A_251 = arith.addi %mul3A_249, %add3A_250 : i32
          %get3A_252 = arith.constant 0 : i32
          %get3A_253 = arith.index_cast %get3A_252 : i32 to index
          %get3A_254 = arith.index_cast %add3A_251 : i32 to index
          %get3A_255 = arith.constant 0 : index
          %get3A_256 = tpu.vector_load %arg7[%get3A_253, %get3A_254, %get3A_255] {strides = array<i32>} : memref<2x200x128xf32, #tpu.memory_space<vmem>>, vector<16xf32>,
          %swap3A_257 = arith.constant 0 : i32
          %swap3A_258 = arith.constant 0 : i32
          %swap3A_259 = arith.index_cast %swap3A_257 : i32 to index
          %swap3A_260 = arith.index_cast %swap3A_258 : i32 to index
          %swap3A_261 = arith.index_cast %add3A_251 : i32 to index
          %swap3A_262 = arith.constant 0 : index
          %swap3A_263 = tpu.vector_load %arg8[%swap3A_259, %swap3A_260, %swap3A_261, %swap3A_262] {strides = array<i32>} : memref<2x1x200x64xf32, #tpu.memory_space<vmem>>, vector<16xf32>,
          tpu.vector_store %arg8[%swap3A_259, %swap3A_260, %swap3A_261, %swap3A_262], %get3A_256 {strides = array<i32>} : memref<2x1x200x64xf32, #tpu.memory_space<vmem>>, vector<16xf32>,
          %get3A_264 = arith.constant 0 : i32
          %get3A_265 = arith.index_cast %get3A_264 : i32 to index
          %get3A_266 = arith.index_cast %add3A_251 : i32 to index
          %get3A_267 = arith.constant 16 : index
          %get3A_268 = tpu.vector_load %arg7[%get3A_265, %get3A_266, %get3A_267] {strides = array<i32>} : memref<2x200x128xf32, #tpu.memory_space<vmem>>, vector<16xf32>,
          %swap3A_269 = arith.constant 0 : i32
          %swap3A_270 = arith.constant 0 : i32
          %swap3A_271 = arith.index_cast %swap3A_269 : i32 to index
          %swap3A_272 = arith.index_cast %swap3A_270 : i32 to index
          %swap3A_273 = arith.index_cast %add3A_251 : i32 to index
          %swap3A_274 = arith.constant 16 : index
          %swap3A_275 = tpu.vector_load %arg8[%swap3A_271, %swap3A_272, %swap3A_273, %swap3A_274] {strides = array<i32>} : memref<2x1x200x64xf32, #tpu.memory_space<vmem>>, vector<16xf32>,
          tpu.vector_store %arg8[%swap3A_271, %swap3A_272, %swap3A_273, %swap3A_274], %get3A_268 {strides = array<i32>} : memref<2x1x200x64xf32, #tpu.memory_space<vmem>>, vector<16xf32>,
          %get3A_276 = arith.constant 0 : i32
          %get3A_277 = arith.index_cast %get3A_276 : i32 to index
          %get3A_278 = arith.index_cast %add3A_251 : i32 to index
          %get3A_279 = arith.constant 32 : index
          %get3A_280 = tpu.vector_load %arg7[%get3A_277, %get3A_278, %get3A_279] {strides = array<i32>} : memref<2x200x128xf32, #tpu.memory_space<vmem>>, vector<16xf32>,
          %swap3A_281 = arith.constant 0 : i32
          %swap3A_282 = arith.constant 0 : i32
          %swap3A_283 = arith.index_cast %swap3A_281 : i32 to index
          %swap3A_284 = arith.index_cast %swap3A_282 : i32 to index
          %swap3A_285 = arith.index_cast %add3A_251 : i32 to index
          %swap3A_286 = arith.constant 32 : index
          %swap3A_287 = tpu.vector_load %arg8[%swap3A_283, %swap3A_284, %swap3A_285, %swap3A_286] {strides = array<i32>} : memref<2x1x200x64xf32, #tpu.memory_space<vmem>>, vector<16xf32>,
          tpu.vector_store %arg8[%swap3A_283, %swap3A_284, %swap3A_285, %swap3A_286], %get3A_280 {strides = array<i32>} : memref<2x1x200x64xf32, #tpu.memory_space<vmem>>, vector<16xf32>,
          %get3A_288 = arith.constant 0 : i32
          %get3A_289 = arith.index_cast %get3A_288 : i32 to index
          %get3A_290 = arith.index_cast %add3A_251 : i32 to index
          %get3A_291 = arith.constant 48 : index
          %get3A_292 = tpu.vector_load %arg7[%get3A_289, %get3A_290, %get3A_291] {strides = array<i32>} : memref<2x200x128xf32, #tpu.memory_space<vmem>>, vector<16xf32>,
          %swap3A_293 = arith.constant 0 : i32
          %swap3A_294 = arith.constant 0 : i32
          %swap3A_295 = arith.index_cast %swap3A_293 : i32 to index
          %swap3A_296 = arith.index_cast %swap3A_294 : i32 to index
          %swap3A_297 = arith.index_cast %add3A_251 : i32 to index
          %swap3A_298 = arith.constant 48 : index
          %swap3A_299 = tpu.vector_load %arg8[%swap3A_295, %swap3A_296, %swap3A_297, %swap3A_298] {strides = array<i32>} : memref<2x1x200x64xf32, #tpu.memory_space<vmem>>, vector<16xf32>,
          tpu.vector_store %arg8[%swap3A_295, %swap3A_296, %swap3A_297, %swap3A_298], %get3A_292 {strides = array<i32>} : memref<2x1x200x64xf32, #tpu.memory_space<vmem>>, vector<16xf32>,
          %mul3A_300 = arith.constant 4 : i32
          %mul3A_301 = arith.muli %scan3A_197, %mul3A_300 : i32
          %add3A_302 = arith.constant 2 : i32
          %add3A_303 = arith.addi %mul3A_301, %add3A_302 : i32
          %get3A_304 = arith.constant 0 : i32
          %get3A_305 = arith.index_cast %get3A_304 : i32 to index
          %get3A_306 = arith.index_cast %add3A_303 : i32 to index
          %get3A_307 = arith.constant 0 : index
          %get3A_308 = tpu.vector_load %arg7[%get3A_305, %get3A_306, %get3A_307] {strides = array<i32>} : memref<2x200x128xf32, #tpu.memory_space<vmem>>, vector<16xf32>,
          %swap3A_309 = arith.constant 0 : i32
          %swap3A_310 = arith.constant 0 : i32
          %swap3A_311 = arith.index_cast %swap3A_309 : i32 to index
          %swap3A_312 = arith.index_cast %swap3A_310 : i32 to index
          %swap3A_313 = arith.index_cast %add3A_303 : i32 to index
          %swap3A_314 = arith.constant 0 : index
          %swap3A_315 = tpu.vector_load %arg8[%swap3A_311, %swap3A_312, %swap3A_313, %swap3A_314] {strides = array<i32>} : memref<2x1x200x64xf32, #tpu.memory_space<vmem>>, vector<16xf32>,
          tpu.vector_store %arg8[%swap3A_311, %swap3A_312, %swap3A_313, %swap3A_314], %get3A_308 {strides = array<i32>} : memref<2x1x200x64xf32, #tpu.memory_space<vmem>>, vector<16xf32>,
          %get3A_316 = arith.constant 0 : i32
          %get3A_317 = arith.index_cast %get3A_316 : i32 to index
          %get3A_318 = arith.index_cast %add3A_303 : i32 to index
          %get3A_319 = arith.constant 16 : index
          %get3A_320 = tpu.vector_load %arg7[%get3A_317, %get3A_318, %get3A_319] {strides = array<i32>} : memref<2x200x128xf32, #tpu.memory_space<vmem>>, vector<16xf32>,
          %swap3A_321 = arith.constant 0 : i32
          %swap3A_322 = arith.constant 0 : i32
          %swap3A_323 = arith.index_cast %swap3A_321 : i32 to index
          %swap3A_324 = arith.index_cast %swap3A_322 : i32 to index
          %swap3A_325 = arith.index_cast %add3A_303 : i32 to index
          %swap3A_326 = arith.constant 16 : index
          %swap3A_327 = tpu.vector_load %arg8[%swap3A_323, %swap3A_324, %swap3A_325, %swap3A_326] {strides = array<i32>} : memref<2x1x200x64xf32, #tpu.memory_space<vmem>>, vector<16xf32>,
          tpu.vector_store %arg8[%swap3A_323, %swap3A_324, %swap3A_325, %swap3A_326], %get3A_320 {strides = array<i32>} : memref<2x1x200x64xf32, #tpu.memory_space<vmem>>, vector<16xf32>,
          %get3A_328 = arith.constant 0 : i32
          %get3A_329 = arith.index_cast %get3A_328 : i32 to index
          %get3A_330 = arith.index_cast %add3A_303 : i32 to index
          %get3A_331 = arith.constant 32 : index
          %get3A_332 = tpu.vector_load %arg7[%get3A_329, %get3A_330, %get3A_331] {strides = array<i32>} : memref<2x200x128xf32, #tpu.memory_space<vmem>>, vector<16xf32>,
          %swap3A_333 = arith.constant 0 : i32
          %swap3A_334 = arith.constant 0 : i32
          %swap3A_335 = arith.index_cast %swap3A_333 : i32 to index
          %swap3A_336 = arith.index_cast %swap3A_334 : i32 to index
          %swap3A_337 = arith.index_cast %add3A_303 : i32 to index
          %swap3A_338 = arith.constant 32 : index
          %swap3A_339 = tpu.vector_load %arg8[%swap3A_335, %swap3A_336, %swap3A_337, %swap3A_338] {strides = array<i32>} : memref<2x1x200x64xf32, #tpu.memory_space<vmem>>, vector<16xf32>,
          tpu.vector_store %arg8[%swap3A_335, %swap3A_336, %swap3A_337, %swap3A_338], %get3A_332 {strides = array<i32>} : memref<2x1x200x64xf32, #tpu.memory_space<vmem>>, vector<16xf32>,
          %get3A_340 = arith.constant 0 : i32
          %get3A_341 = arith.index_cast %get3A_340 : i32 to index
          %get3A_342 = arith.index_cast %add3A_303 : i32 to index
          %get3A_343 = arith.constant 48 : index
          %get3A_344 = tpu.vector_load %arg7[%get3A_341, %get3A_342, %get3A_343] {strides = array<i32>} : memref<2x200x128xf32, #tpu.memory_space<vmem>>, vector<16xf32>,
          %swap3A_345 = arith.constant 0 : i32
          %swap3A_346 = arith.constant 0 : i32
          %swap3A_347 = arith.index_cast %swap3A_345 : i32 to index
          %swap3A_348 = arith.index_cast %swap3A_346 : i32 to index
          %swap3A_349 = arith.index_cast %add3A_303 : i32 to index
          %swap3A_350 = arith.constant 48 : index
          %swap3A_351 = tpu.vector_load %arg8[%swap3A_347, %swap3A_348, %swap3A_349, %swap3A_350] {strides = array<i32>} : memref<2x1x200x64xf32, #tpu.memory_space<vmem>>, vector<16xf32>,
          tpu.vector_store %arg8[%swap3A_347, %swap3A_348, %swap3A_349, %swap3A_350], %get3A_344 {strides = array<i32>} : memref<2x1x200x64xf32, #tpu.memory_space<vmem>>, vector<16xf32>,
          %mul3A_352 = arith.constant 4 : i32
          %mul3A_353 = arith.muli %scan3A_197, %mul3A_352 : i32
          %add3A_354 = arith.constant 3 : i32
          %add3A_355 = arith.addi %mul3A_353, %add3A_354 : i32
          %get3A_356 = arith.constant 0 : i32
          %get3A_357 = arith.index_cast %get3A_356 : i32 to index
          %get3A_358 = arith.index_cast %add3A_355 : i32 to index
          %get3A_359 = arith.constant 0 : index
          %get3A_360 = tpu.vector_load %arg7[%get3A_357, %get3A_358, %get3A_359] {strides = array<i32>} : memref<2x200x128xf32, #tpu.memory_space<vmem>>, vector<16xf32>,
          %swap3A_361 = arith.constant 0 : i32
          %swap3A_362 = arith.constant 0 : i32
          %swap3A_363 = arith.index_cast %swap3A_361 : i32 to index
          %swap3A_364 = arith.index_cast %swap3A_362 : i32 to index
          %swap3A_365 = arith.index_cast %add3A_355 : i32 to index
          %swap3A_366 = arith.constant 0 : index
          %swap3A_367 = tpu.vector_load %arg8[%swap3A_363, %swap3A_364, %swap3A_365, %swap3A_366] {strides = array<i32>} : memref<2x1x200x64xf32, #tpu.memory_space<vmem>>, vector<16xf32>,
          tpu.vector_store %arg8[%swap3A_363, %swap3A_364, %swap3A_365, %swap3A_366], %get3A_360 {strides = array<i32>} : memref<2x1x200x64xf32, #tpu.memory_space<vmem>>, vector<16xf32>,
          %get3A_368 = arith.constant 0 : i32
          %get3A_369 = arith.index_cast %get3A_368 : i32 to index
          %get3A_370 = arith.index_cast %add3A_355 : i32 to index
          %get3A_371 = arith.constant 16 : index
          %get3A_372 = tpu.vector_load %arg7[%get3A_369, %get3A_370, %get3A_371] {strides = array<i32>} : memref<2x200x128xf32, #tpu.memory_space<vmem>>, vector<16xf32>,
          %swap3A_373 = arith.constant 0 : i32
          %swap3A_374 = arith.constant 0 : i32
          %swap3A_375 = arith.index_cast %swap3A_373 : i32 to index
          %swap3A_376 = arith.index_cast %swap3A_374 : i32 to index
          %swap3A_377 = arith.index_cast %add3A_355 : i32 to index
          %swap3A_378 = arith.constant 16 : index
          %swap3A_379 = tpu.vector_load %arg8[%swap3A_375, %swap3A_376, %swap3A_377, %swap3A_378] {strides = array<i32>} : memref<2x1x200x64xf32, #tpu.memory_space<vmem>>, vector<16xf32>,
          tpu.vector_store %arg8[%swap3A_375, %swap3A_376, %swap3A_377, %swap3A_378], %get3A_372 {strides = array<i32>} : memref<2x1x200x64xf32, #tpu.memory_space<vmem>>, vector<16xf32>,
          %get3A_380 = arith.constant 0 : i32
          %get3A_381 = arith.index_cast %get3A_380 : i32 to index
          %get3A_382 = arith.index_cast %add3A_355 : i32 to index
          %get3A_383 = arith.constant 32 : index
          %get3A_384 = tpu.vector_load %arg7[%get3A_381, %get3A_382, %get3A_383] {strides = array<i32>} : memref<2x200x128xf32, #tpu.memory_space<vmem>>, vector<16xf32>,
          %swap3A_385 = arith.constant 0 : i32
          %swap3A_386 = arith.constant 0 : i32
          %swap3A_387 = arith.index_cast %swap3A_385 : i32 to index
          %swap3A_388 = arith.index_cast %swap3A_386 : i32 to index
          %swap3A_389 = arith.index_cast %add3A_355 : i32 to index
          %swap3A_390 = arith.constant 32 : index
          %swap3A_391 = tpu.vector_load %arg8[%swap3A_387, %swap3A_388, %swap3A_389, %swap3A_390] {strides = array<i32>} : memref<2x1x200x64xf32, #tpu.memory_space<vmem>>, vector<16xf32>,
          tpu.vector_store %arg8[%swap3A_387, %swap3A_388, %swap3A_389, %swap3A_390], %get3A_384 {strides = array<i32>} : memref<2x1x200x64xf32, #tpu.memory_space<vmem>>, vector<16xf32>,
          %get3A_392 = arith.constant 0 : i32
          %get3A_393 = arith.index_cast %get3A_392 : i32 to index
          %get3A_394 = arith.index_cast %add3A_355 : i32 to index
          %get3A_395 = arith.constant 48 : index
          %get3A_396 = tpu.vector_load %arg7[%get3A_393, %get3A_394, %get3A_395] {strides = array<i32>} : memref<2x200x128xf32, #tpu.memory_space<vmem>>, vector<16xf32>,
          %swap3A_397 = arith.constant 0 : i32
          %swap3A_398 = arith.constant 0 : i32
          %swap3A_399 = arith.index_cast %swap3A_397 : i32 to index
          %swap3A_400 = arith.index_cast %swap3A_398 : i32 to index
          %swap3A_401 = arith.index_cast %add3A_355 : i32 to index
          %swap3A_402 = arith.constant 48 : index
          %swap3A_403 = tpu.vector_load %arg8[%swap3A_399, %swap3A_400, %swap3A_401, %swap3A_402] {strides = array<i32>} : memref<2x1x200x64xf32, #tpu.memory_space<vmem>>, vector<16xf32>,
          tpu.vector_store %arg8[%swap3A_399, %swap3A_400, %swap3A_401, %swap3A_402], %get3A_396 {strides = array<i32>} : memref<2x1x200x64xf32, #tpu.memory_space<vmem>>, vector<16xf32>,
        }
        %scan3A_171 = arith.constant 50 : i32
        %sub3A = arith.constant 1 : i32
        %sub3A_172 = arith.subi %add3A_133, %sub3A : i32
        %add3A_173 = arith.addi %mul3A_2, %sub3A_172 : i32
        %dma_start3A_174 = arith.constant 0 : i32
        %dma_start3A_175 = arith.constant 0 : i32
        %dma_start3A_176 = arith.constant 0 : i32
        %dma_start3A_177 = arith.constant 0 : i32
        %dma_start3A_178 = tpu.memref_slice %arg8[%dma_start3A_174, %dma_start3A_175, %dma_start3A_176, %dma_start3A_177] : memref<2x1x200x64xf32, #tpu.memory_space<vmem>> -> memref<1x1x200x64xf32, #tpu.memory_space<vmem>>
        %dma_start3A_179 = tpu.memref_squeeze %dma_start3A_178 : memref<1x1x200x64xf32, #tpu.memory_space<vmem>> -> memref<1x200x64xf32, #tpu.memory_space<vmem>>
        %dma_start3A_180 = arith.constant 0 : i32
        %dma_start3A_181 = arith.constant 0 : i32
        %dma_start3A_182 = tpu.memref_slice %arg4[%add3A_173, %dma_start3A_180, %dma_start3A_181] : memref<4096x200x64xf32, #tpu.memory_space<hbm>> -> memref<1x200x64xf32, #tpu.memory_space<hbm>>
        %dma_start3A_183 = arith.constant 0 : i32
        %dma_start3A_184 = arith.constant 0 : i32
        %dma_start3A_185 = tpu.memref_slice %arg4[%add3A_173, %dma_start3A_183, %dma_start3A_184] : memref<4096x200x64xf32, #tpu.memory_space<hbm>> -> memref<1x200x64xf32, #tpu.memory_space<hbm>>
        %dma_start3A_186 = arith.constant 0 : i32
        %dma_start3A_187 = arith.constant 0 : i32
        %dma_start3A_188 = arith.constant 0 : i32
        %dma_start3A_189 = tpu.memref_slice %arg8[%dma_start3A_174, %dma_start3A_186, %dma_start3A_187, %dma_start3A_188] : memref<2x1x200x64xf32, #tpu.memory_space<vmem>> -> memref<1x1x200x64xf32, #tpu.memory_space<vmem>>
        %dma_start3A_190 = tpu.memref_squeeze %dma_start3A_189 : memref<1x1x200x64xf32, #tpu.memory_space<vmem>> -> memref<1x200x64xf32, #tpu.memory_space<vmem>>
        tpu.enqueue_dma source(%dma_start3A_190 : memref<1x200x64xf32, #tpu.memory_space<vmem>>) target(%dma_start3A_185 : memref<1x200x64xf32, #tpu.memory_space<hbm>>) target_semaphore(%arg13 : memref<!tpu.dma_semaphore, #tpu.memory_space<semaphore_mem>>)
        %add3A_191 = arith.constant 1 : i32
        %add3A_192 = arith.addi %add3A_133, %add3A_191 : i32
        %lt3A = arith.constant 128 : i32
        %lt3A_193 = arith.cmpi slt, %add3A_192, %lt3A : i32
        %convert_element_type3A_194 = arith.extui %lt3A_193 : i1 to i32
        %cond3A_195 = arith.constant 0 : i32
        %cond3A_196 = arith.cmpi ne, %convert_element_type3A_194, %cond3A_195 : i32
        scf.if %cond3A_196 {
          %add3A_197 = arith.constant 1 : i32
          %add3A_198 = arith.addi %add3A_133, %add3A_197 : i32
          %add3A_199 = arith.addi %mul3A_2, %add3A_198 : i32
          %mul3A_200 = arith.constant 200 : i32
          %mul3A_201 = arith.muli %add3A_199, %mul3A_200 : i32
          %multiple_of3A_202 = tpu.assume_multiple %mul3A_201, 8 : i32
          %dma_start3A_203 = tpu.memref_slice %arg3[%multiple_of3A_202] : memref<819200xi32, #tpu.memory_space<hbm>> -> memref<200xi32, #tpu.memory_space<hbm>>
          %dma_start3A_204 = tpu.memref_slice %arg3[%multiple_of3A_202] : memref<819200xi32, #tpu.memory_space<hbm>> -> memref<200xi32, #tpu.memory_space<hbm>>
          tpu.enqueue_dma source(%dma_start3A_204 : memref<200xi32, #tpu.memory_space<hbm>>) target(%arg5 : memref<200xi32, #tpu.memory_space<vmem>>) target_semaphore(%arg9 : memref<!tpu.dma_semaphore, #tpu.memory_space<semaphore_mem>>)
        } else {
        }
      } else {
      }
    }
    %scan3A_19 = arith.constant 64 : i32
    %dma_wait3A = arith.constant 1 : i32
    %dma_wait3A_20 = arith.constant 0 : i32
    %dma_wait3A_21 = arith.constant 0 : i32
    %dma_wait3A_22 = tpu.memref_slice %arg7[%dma_wait3A, %dma_wait3A_20, %dma_wait3A_21] : memref<2x200x128xf32, #tpu.memory_space<vmem>> -> memref<1x200x128xf32, #tpu.memory_space<vmem>>
    %dma_wait3A_23 = tpu.memref_squeeze %dma_wait3A_22 : memref<1x200x128xf32, #tpu.memory_space<vmem>> -> memref<200x128xf32, #tpu.memory_space<vmem>>
    %dma_wait3A_24 = arith.constant 0 : i32
    %dma_wait3A_25 = arith.constant 0 : i32
    %dma_wait3A_26 = tpu.memref_slice %arg2[%dma_wait3A_24, %dma_wait3A_25] : memref<1000000x128xf32, #tpu.memory_space<hbm>> -> memref<1000000x128xf32, #tpu.memory_space<hbm>>
    tpu.wait_indirect_dma semaphore(%arg12 : memref<!tpu.dma_semaphore, #tpu.memory_space<semaphore_mem>>) src(%dma_wait3A_26 : memref<1000000x128xf32, #tpu.memory_space<hbm>>) dst(%dma_wait3A_23 : memref<200x128xf32, #tpu.memory_space<vmem>>)
    %add3A_27 = arith.constant 125 : i32
    %add3A_28 = arith.addi %mul3A_2, %add3A_27 : i32
    %dma_wait3A_29 = arith.constant 1 : i32
    %dma_wait3A_30 = arith.constant 0 : i32
    %dma_wait3A_31 = arith.constant 0 : i32
    %dma_wait3A_32 = arith.constant 0 : i32
    %dma_wait3A_33 = tpu.memref_slice %arg8[%dma_wait3A_29, %dma_wait3A_30, %dma_wait3A_31, %dma_wait3A_32] : memref<2x1x200x64xf32, #tpu.memory_space<vmem>> -> memref<1x1x200x64xf32, #tpu.memory_space<vmem>>
    %dma_wait3A_34 = tpu.memref_squeeze %dma_wait3A_33 : memref<1x1x200x64xf32, #tpu.memory_space<vmem>> -> memref<1x200x64xf32, #tpu.memory_space<vmem>>
    %dma_wait3A_35 = arith.constant 0 : i32
    %dma_wait3A_36 = arith.constant 0 : i32
    %dma_wait3A_37 = tpu.memref_slice %arg4[%add3A_28, %dma_wait3A_35, %dma_wait3A_36] : memref<4096x200x64xf32, #tpu.memory_space<hbm>> -> memref<1x200x64xf32, #tpu.memory_space<hbm>>
    %dma_wait3A_38 = arith.constant 0 : i32
    %dma_wait3A_39 = arith.constant 0 : i32
    %dma_wait3A_40 = tpu.memref_slice %arg4[%add3A_28, %dma_wait3A_38, %dma_wait3A_39] : memref<4096x200x64xf32, #tpu.memory_space<hbm>> -> memref<1x200x64xf32, #tpu.memory_space<hbm>>
    %dma_wait3A_41 = arith.constant 0 : i32
    %dma_wait3A_42 = arith.constant 0 : i32
    %dma_wait3A_43 = arith.constant 0 : i32
    %dma_wait3A_44 = tpu.memref_slice %arg8[%dma_wait3A_29, %dma_wait3A_41, %dma_wait3A_42, %dma_wait3A_43] : memref<2x1x200x64xf32, #tpu.memory_space<vmem>> -> memref<1x1x200x64xf32, #tpu.memory_space<vmem>>
    %dma_wait3A_45 = tpu.memref_squeeze %dma_wait3A_44 : memref<1x1x200x64xf32, #tpu.memory_space<vmem>> -> memref<1x200x64xf32, #tpu.memory_space<vmem>>
    tpu.wait_dma2 semaphore(%arg14 : memref<!tpu.dma_semaphore, #tpu.memory_space<semaphore_mem>>) src(%dma_wait3A_45 : memref<1x200x64xf32, #tpu.memory_space<vmem>>) dst(%dma_wait3A_40 : memref<1x200x64xf32, #tpu.memory_space<hbm>>)
    %scan3A_46 = arith.constant 0 : i32
    %scan3A_47 = arith.constant 0 : i32
    %scan3A_48 = arith.constant 50 : i32
    %scan3A_49 = arith.addi %scan3A_47, %scan3A_48 : i32
    %scan3A_50 = arith.constant 1 : i32
    scf.for %scan3A_109 = %scan3A_47 to %scan3A_49 step %scan3A_50  : i32 {
      %mul3A_110 = arith.constant 4 : i32
      %mul3A_111 = arith.muli %scan3A_109, %mul3A_110 : i32
      %add3A_112 = arith.constant 0 : i32
      %add3A_113 = arith.addi %mul3A_111, %add3A_112 : i32
      %get3A = arith.constant 1 : i32
      %get3A_114 = arith.index_cast %get3A : i32 to index
      %get3A_115 = arith.index_cast %add3A_113 : i32 to index
      %get3A_116 = arith.constant 0 : index
      %get3A_117 = tpu.vector_load %arg7[%get3A_114, %get3A_115, %get3A_116] {strides = array<i32>} : memref<2x200x128xf32, #tpu.memory_space<vmem>>, vector<16xf32>,
      %swap3A = arith.constant 1 : i32
      %swap3A_118 = arith.constant 0 : i32
      %swap3A_119 = arith.index_cast %swap3A : i32 to index
      %swap3A_120 = arith.index_cast %swap3A_118 : i32 to index
      %swap3A_121 = arith.index_cast %add3A_113 : i32 to index
      %swap3A_122 = arith.constant 0 : index
      %swap3A_123 = tpu.vector_load %arg8[%swap3A_119, %swap3A_120, %swap3A_121, %swap3A_122] {strides = array<i32>} : memref<2x1x200x64xf32, #tpu.memory_space<vmem>>, vector<16xf32>,
      tpu.vector_store %arg8[%swap3A_119, %swap3A_120, %swap3A_121, %swap3A_122], %get3A_117 {strides = array<i32>} : memref<2x1x200x64xf32, #tpu.memory_space<vmem>>, vector<16xf32>,
      %get3A_124 = arith.constant 1 : i32
      %get3A_125 = arith.index_cast %get3A_124 : i32 to index
      %get3A_126 = arith.index_cast %add3A_113 : i32 to index
      %get3A_127 = arith.constant 16 : index
      %get3A_128 = tpu.vector_load %arg7[%get3A_125, %get3A_126, %get3A_127] {strides = array<i32>} : memref<2x200x128xf32, #tpu.memory_space<vmem>>, vector<16xf32>,
      %swap3A_129 = arith.constant 1 : i32
      %swap3A_130 = arith.constant 0 : i32
      %swap3A_131 = arith.index_cast %swap3A_129 : i32 to index
      %swap3A_132 = arith.index_cast %swap3A_130 : i32 to index
      %swap3A_133 = arith.index_cast %add3A_113 : i32 to index
      %swap3A_134 = arith.constant 16 : index
      %swap3A_135 = tpu.vector_load %arg8[%swap3A_131, %swap3A_132, %swap3A_133, %swap3A_134] {strides = array<i32>} : memref<2x1x200x64xf32, #tpu.memory_space<vmem>>, vector<16xf32>,
      tpu.vector_store %arg8[%swap3A_131, %swap3A_132, %swap3A_133, %swap3A_134], %get3A_128 {strides = array<i32>} : memref<2x1x200x64xf32, #tpu.memory_space<vmem>>, vector<16xf32>,
      %get3A_136 = arith.constant 1 : i32
      %get3A_137 = arith.index_cast %get3A_136 : i32 to index
      %get3A_138 = arith.index_cast %add3A_113 : i32 to index
      %get3A_139 = arith.constant 32 : index
      %get3A_140 = tpu.vector_load %arg7[%get3A_137, %get3A_138, %get3A_139] {strides = array<i32>} : memref<2x200x128xf32, #tpu.memory_space<vmem>>, vector<16xf32>,
      %swap3A_141 = arith.constant 1 : i32
      %swap3A_142 = arith.constant 0 : i32
      %swap3A_143 = arith.index_cast %swap3A_141 : i32 to index
      %swap3A_144 = arith.index_cast %swap3A_142 : i32 to index
      %swap3A_145 = arith.index_cast %add3A_113 : i32 to index
      %swap3A_146 = arith.constant 32 : index
      %swap3A_147 = tpu.vector_load %arg8[%swap3A_143, %swap3A_144, %swap3A_145, %swap3A_146] {strides = array<i32>} : memref<2x1x200x64xf32, #tpu.memory_space<vmem>>, vector<16xf32>,
      tpu.vector_store %arg8[%swap3A_143, %swap3A_144, %swap3A_145, %swap3A_146], %get3A_140 {strides = array<i32>} : memref<2x1x200x64xf32, #tpu.memory_space<vmem>>, vector<16xf32>,
      %get3A_148 = arith.constant 1 : i32
      %get3A_149 = arith.index_cast %get3A_148 : i32 to index
      %get3A_150 = arith.index_cast %add3A_113 : i32 to index
      %get3A_151 = arith.constant 48 : index
      %get3A_152 = tpu.vector_load %arg7[%get3A_149, %get3A_150, %get3A_151] {strides = array<i32>} : memref<2x200x128xf32, #tpu.memory_space<vmem>>, vector<16xf32>,
      %swap3A_153 = arith.constant 1 : i32
      %swap3A_154 = arith.constant 0 : i32
      %swap3A_155 = arith.index_cast %swap3A_153 : i32 to index
      %swap3A_156 = arith.index_cast %swap3A_154 : i32 to index
      %swap3A_157 = arith.index_cast %add3A_113 : i32 to index
      %swap3A_158 = arith.constant 48 : index
      %swap3A_159 = tpu.vector_load %arg8[%swap3A_155, %swap3A_156, %swap3A_157, %swap3A_158] {strides = array<i32>} : memref<2x1x200x64xf32, #tpu.memory_space<vmem>>, vector<16xf32>,
      tpu.vector_store %arg8[%swap3A_155, %swap3A_156, %swap3A_157, %swap3A_158], %get3A_152 {strides = array<i32>} : memref<2x1x200x64xf32, #tpu.memory_space<vmem>>, vector<16xf32>,
      %mul3A_160 = arith.constant 4 : i32
      %mul3A_161 = arith.muli %scan3A_109, %mul3A_160 : i32
      %add3A_162 = arith.constant 1 : i32
      %add3A_163 = arith.addi %mul3A_161, %add3A_162 : i32
      %get3A_164 = arith.constant 1 : i32
      %get3A_165 = arith.index_cast %get3A_164 : i32 to index
      %get3A_166 = arith.index_cast %add3A_163 : i32 to index
      %get3A_167 = arith.constant 0 : index
      %get3A_168 = tpu.vector_load %arg7[%get3A_165, %get3A_166, %get3A_167] {strides = array<i32>} : memref<2x200x128xf32, #tpu.memory_space<vmem>>, vector<16xf32>,
      %swap3A_169 = arith.constant 1 : i32
      %swap3A_170 = arith.constant 0 : i32
      %swap3A_171 = arith.index_cast %swap3A_169 : i32 to index
      %swap3A_172 = arith.index_cast %swap3A_170 : i32 to index
      %swap3A_173 = arith.index_cast %add3A_163 : i32 to index
      %swap3A_174 = arith.constant 0 : index
      %swap3A_175 = tpu.vector_load %arg8[%swap3A_171, %swap3A_172, %swap3A_173, %swap3A_174] {strides = array<i32>} : memref<2x1x200x64xf32, #tpu.memory_space<vmem>>, vector<16xf32>,
      tpu.vector_store %arg8[%swap3A_171, %swap3A_172, %swap3A_173, %swap3A_174], %get3A_168 {strides = array<i32>} : memref<2x1x200x64xf32, #tpu.memory_space<vmem>>, vector<16xf32>,
      %get3A_176 = arith.constant 1 : i32
      %get3A_177 = arith.index_cast %get3A_176 : i32 to index
      %get3A_178 = arith.index_cast %add3A_163 : i32 to index
      %get3A_179 = arith.constant 16 : index
      %get3A_180 = tpu.vector_load %arg7[%get3A_177, %get3A_178, %get3A_179] {strides = array<i32>} : memref<2x200x128xf32, #tpu.memory_space<vmem>>, vector<16xf32>,
      %swap3A_181 = arith.constant 1 : i32
      %swap3A_182 = arith.constant 0 : i32
      %swap3A_183 = arith.index_cast %swap3A_181 : i32 to index
      %swap3A_184 = arith.index_cast %swap3A_182 : i32 to index
      %swap3A_185 = arith.index_cast %add3A_163 : i32 to index
      %swap3A_186 = arith.constant 16 : index
      %swap3A_187 = tpu.vector_load %arg8[%swap3A_183, %swap3A_184, %swap3A_185, %swap3A_186] {strides = array<i32>} : memref<2x1x200x64xf32, #tpu.memory_space<vmem>>, vector<16xf32>,
      tpu.vector_store %arg8[%swap3A_183, %swap3A_184, %swap3A_185, %swap3A_186], %get3A_180 {strides = array<i32>} : memref<2x1x200x64xf32, #tpu.memory_space<vmem>>, vector<16xf32>,
      %get3A_188 = arith.constant 1 : i32
      %get3A_189 = arith.index_cast %get3A_188 : i32 to index
      %get3A_190 = arith.index_cast %add3A_163 : i32 to index
      %get3A_191 = arith.constant 32 : index
      %get3A_192 = tpu.vector_load %arg7[%get3A_189, %get3A_190, %get3A_191] {strides = array<i32>} : memref<2x200x128xf32, #tpu.memory_space<vmem>>, vector<16xf32>,
      %swap3A_193 = arith.constant 1 : i32
      %swap3A_194 = arith.constant 0 : i32
      %swap3A_195 = arith.index_cast %swap3A_193 : i32 to index
      %swap3A_196 = arith.index_cast %swap3A_194 : i32 to index
      %swap3A_197 = arith.index_cast %add3A_163 : i32 to index
      %swap3A_198 = arith.constant 32 : index
      %swap3A_199 = tpu.vector_load %arg8[%swap3A_195, %swap3A_196, %swap3A_197, %swap3A_198] {strides = array<i32>} : memref<2x1x200x64xf32, #tpu.memory_space<vmem>>, vector<16xf32>,
      tpu.vector_store %arg8[%swap3A_195, %swap3A_196, %swap3A_197, %swap3A_198], %get3A_192 {strides = array<i32>} : memref<2x1x200x64xf32, #tpu.memory_space<vmem>>, vector<16xf32>,
      %get3A_200 = arith.constant 1 : i32
      %get3A_201 = arith.index_cast %get3A_200 : i32 to index
      %get3A_202 = arith.index_cast %add3A_163 : i32 to index
      %get3A_203 = arith.constant 48 : index
      %get3A_204 = tpu.vector_load %arg7[%get3A_201, %get3A_202, %get3A_203] {strides = array<i32>} : memref<2x200x128xf32, #tpu.memory_space<vmem>>, vector<16xf32>,
      %swap3A_205 = arith.constant 1 : i32
      %swap3A_206 = arith.constant 0 : i32
      %swap3A_207 = arith.index_cast %swap3A_205 : i32 to index
      %swap3A_208 = arith.index_cast %swap3A_206 : i32 to index
      %swap3A_209 = arith.index_cast %add3A_163 : i32 to index
      %swap3A_210 = arith.constant 48 : index
      %swap3A_211 = tpu.vector_load %arg8[%swap3A_207, %swap3A_208, %swap3A_209, %swap3A_210] {strides = array<i32>} : memref<2x1x200x64xf32, #tpu.memory_space<vmem>>, vector<16xf32>,
      tpu.vector_store %arg8[%swap3A_207, %swap3A_208, %swap3A_209, %swap3A_210], %get3A_204 {strides = array<i32>} : memref<2x1x200x64xf32, #tpu.memory_space<vmem>>, vector<16xf32>,
      %mul3A_212 = arith.constant 4 : i32
      %mul3A_213 = arith.muli %scan3A_109, %mul3A_212 : i32
      %add3A_214 = arith.constant 2 : i32
      %add3A_215 = arith.addi %mul3A_213, %add3A_214 : i32
      %get3A_216 = arith.constant 1 : i32
      %get3A_217 = arith.index_cast %get3A_216 : i32 to index
      %get3A_218 = arith.index_cast %add3A_215 : i32 to index
      %get3A_219 = arith.constant 0 : index
      %get3A_220 = tpu.vector_load %arg7[%get3A_217, %get3A_218, %get3A_219] {strides = array<i32>} : memref<2x200x128xf32, #tpu.memory_space<vmem>>, vector<16xf32>,
      %swap3A_221 = arith.constant 1 : i32
      %swap3A_222 = arith.constant 0 : i32
      %swap3A_223 = arith.index_cast %swap3A_221 : i32 to index
      %swap3A_224 = arith.index_cast %swap3A_222 : i32 to index
      %swap3A_225 = arith.index_cast %add3A_215 : i32 to index
      %swap3A_226 = arith.constant 0 : index
      %swap3A_227 = tpu.vector_load %arg8[%swap3A_223, %swap3A_224, %swap3A_225, %swap3A_226] {strides = array<i32>} : memref<2x1x200x64xf32, #tpu.memory_space<vmem>>, vector<16xf32>,
      tpu.vector_store %arg8[%swap3A_223, %swap3A_224, %swap3A_225, %swap3A_226], %get3A_220 {strides = array<i32>} : memref<2x1x200x64xf32, #tpu.memory_space<vmem>>, vector<16xf32>,
      %get3A_228 = arith.constant 1 : i32
      %get3A_229 = arith.index_cast %get3A_228 : i32 to index
      %get3A_230 = arith.index_cast %add3A_215 : i32 to index
      %get3A_231 = arith.constant 16 : index
      %get3A_232 = tpu.vector_load %arg7[%get3A_229, %get3A_230, %get3A_231] {strides = array<i32>} : memref<2x200x128xf32, #tpu.memory_space<vmem>>, vector<16xf32>,
      %swap3A_233 = arith.constant 1 : i32
      %swap3A_234 = arith.constant 0 : i32
      %swap3A_235 = arith.index_cast %swap3A_233 : i32 to index
      %swap3A_236 = arith.index_cast %swap3A_234 : i32 to index
      %swap3A_237 = arith.index_cast %add3A_215 : i32 to index
      %swap3A_238 = arith.constant 16 : index
      %swap3A_239 = tpu.vector_load %arg8[%swap3A_235, %swap3A_236, %swap3A_237, %swap3A_238] {strides = array<i32>} : memref<2x1x200x64xf32, #tpu.memory_space<vmem>>, vector<16xf32>,
      tpu.vector_store %arg8[%swap3A_235, %swap3A_236, %swap3A_237, %swap3A_238], %get3A_232 {strides = array<i32>} : memref<2x1x200x64xf32, #tpu.memory_space<vmem>>, vector<16xf32>,
      %get3A_240 = arith.constant 1 : i32
      %get3A_241 = arith.index_cast %get3A_240 : i32 to index
      %get3A_242 = arith.index_cast %add3A_215 : i32 to index
      %get3A_243 = arith.constant 32 : index
      %get3A_244 = tpu.vector_load %arg7[%get3A_241, %get3A_242, %get3A_243] {strides = array<i32>} : memref<2x200x128xf32, #tpu.memory_space<vmem>>, vector<16xf32>,
      %swap3A_245 = arith.constant 1 : i32
      %swap3A_246 = arith.constant 0 : i32
      %swap3A_247 = arith.index_cast %swap3A_245 : i32 to index
      %swap3A_248 = arith.index_cast %swap3A_246 : i32 to index
      %swap3A_249 = arith.index_cast %add3A_215 : i32 to index
      %swap3A_250 = arith.constant 32 : index
      %swap3A_251 = tpu.vector_load %arg8[%swap3A_247, %swap3A_248, %swap3A_249, %swap3A_250] {strides = array<i32>} : memref<2x1x200x64xf32, #tpu.memory_space<vmem>>, vector<16xf32>,
      tpu.vector_store %arg8[%swap3A_247, %swap3A_248, %swap3A_249, %swap3A_250], %get3A_244 {strides = array<i32>} : memref<2x1x200x64xf32, #tpu.memory_space<vmem>>, vector<16xf32>,
      %get3A_252 = arith.constant 1 : i32
      %get3A_253 = arith.index_cast %get3A_252 : i32 to index
      %get3A_254 = arith.index_cast %add3A_215 : i32 to index
      %get3A_255 = arith.constant 48 : index
      %get3A_256 = tpu.vector_load %arg7[%get3A_253, %get3A_254, %get3A_255] {strides = array<i32>} : memref<2x200x128xf32, #tpu.memory_space<vmem>>, vector<16xf32>,
      %swap3A_257 = arith.constant 1 : i32
      %swap3A_258 = arith.constant 0 : i32
      %swap3A_259 = arith.index_cast %swap3A_257 : i32 to index
      %swap3A_260 = arith.index_cast %swap3A_258 : i32 to index
      %swap3A_261 = arith.index_cast %add3A_215 : i32 to index
      %swap3A_262 = arith.constant 48 : index
      %swap3A_263 = tpu.vector_load %arg8[%swap3A_259, %swap3A_260, %swap3A_261, %swap3A_262] {strides = array<i32>} : memref<2x1x200x64xf32, #tpu.memory_space<vmem>>, vector<16xf32>,
      tpu.vector_store %arg8[%swap3A_259, %swap3A_260, %swap3A_261, %swap3A_262], %get3A_256 {strides = array<i32>} : memref<2x1x200x64xf32, #tpu.memory_space<vmem>>, vector<16xf32>,
      %mul3A_264 = arith.constant 4 : i32
      %mul3A_265 = arith.muli %scan3A_109, %mul3A_264 : i32
      %add3A_266 = arith.constant 3 : i32
      %add3A_267 = arith.addi %mul3A_265, %add3A_266 : i32
      %get3A_268 = arith.constant 1 : i32
      %get3A_269 = arith.index_cast %get3A_268 : i32 to index
      %get3A_270 = arith.index_cast %add3A_267 : i32 to index
      %get3A_271 = arith.constant 0 : index
      %get3A_272 = tpu.vector_load %arg7[%get3A_269, %get3A_270, %get3A_271] {strides = array<i32>} : memref<2x200x128xf32, #tpu.memory_space<vmem>>, vector<16xf32>,
      %swap3A_273 = arith.constant 1 : i32
      %swap3A_274 = arith.constant 0 : i32
      %swap3A_275 = arith.index_cast %swap3A_273 : i32 to index
      %swap3A_276 = arith.index_cast %swap3A_274 : i32 to index
      %swap3A_277 = arith.index_cast %add3A_267 : i32 to index
      %swap3A_278 = arith.constant 0 : index
      %swap3A_279 = tpu.vector_load %arg8[%swap3A_275, %swap3A_276, %swap3A_277, %swap3A_278] {strides = array<i32>} : memref<2x1x200x64xf32, #tpu.memory_space<vmem>>, vector<16xf32>,
      tpu.vector_store %arg8[%swap3A_275, %swap3A_276, %swap3A_277, %swap3A_278], %get3A_272 {strides = array<i32>} : memref<2x1x200x64xf32, #tpu.memory_space<vmem>>, vector<16xf32>,
      %get3A_280 = arith.constant 1 : i32
      %get3A_281 = arith.index_cast %get3A_280 : i32 to index
      %get3A_282 = arith.index_cast %add3A_267 : i32 to index
      %get3A_283 = arith.constant 16 : index
      %get3A_284 = tpu.vector_load %arg7[%get3A_281, %get3A_282, %get3A_283] {strides = array<i32>} : memref<2x200x128xf32, #tpu.memory_space<vmem>>, vector<16xf32>,
      %swap3A_285 = arith.constant 1 : i32
      %swap3A_286 = arith.constant 0 : i32
      %swap3A_287 = arith.index_cast %swap3A_285 : i32 to index
      %swap3A_288 = arith.index_cast %swap3A_286 : i32 to index
      %swap3A_289 = arith.index_cast %add3A_267 : i32 to index
      %swap3A_290 = arith.constant 16 : index
      %swap3A_291 = tpu.vector_load %arg8[%swap3A_287, %swap3A_288, %swap3A_289, %swap3A_290] {strides = array<i32>} : memref<2x1x200x64xf32, #tpu.memory_space<vmem>>, vector<16xf32>,
      tpu.vector_store %arg8[%swap3A_287, %swap3A_288, %swap3A_289, %swap3A_290], %get3A_284 {strides = array<i32>} : memref<2x1x200x64xf32, #tpu.memory_space<vmem>>, vector<16xf32>,
      %get3A_292 = arith.constant 1 : i32
      %get3A_293 = arith.index_cast %get3A_292 : i32 to index
      %get3A_294 = arith.index_cast %add3A_267 : i32 to index
      %get3A_295 = arith.constant 32 : index
      %get3A_296 = tpu.vector_load %arg7[%get3A_293, %get3A_294, %get3A_295] {strides = array<i32>} : memref<2x200x128xf32, #tpu.memory_space<vmem>>, vector<16xf32>,
      %swap3A_297 = arith.constant 1 : i32
      %swap3A_298 = arith.constant 0 : i32
      %swap3A_299 = arith.index_cast %swap3A_297 : i32 to index
      %swap3A_300 = arith.index_cast %swap3A_298 : i32 to index
      %swap3A_301 = arith.index_cast %add3A_267 : i32 to index
      %swap3A_302 = arith.constant 32 : index
      %swap3A_303 = tpu.vector_load %arg8[%swap3A_299, %swap3A_300, %swap3A_301, %swap3A_302] {strides = array<i32>} : memref<2x1x200x64xf32, #tpu.memory_space<vmem>>, vector<16xf32>,
      tpu.vector_store %arg8[%swap3A_299, %swap3A_300, %swap3A_301, %swap3A_302], %get3A_296 {strides = array<i32>} : memref<2x1x200x64xf32, #tpu.memory_space<vmem>>, vector<16xf32>,
      %get3A_304 = arith.constant 1 : i32
      %get3A_305 = arith.index_cast %get3A_304 : i32 to index
      %get3A_306 = arith.index_cast %add3A_267 : i32 to index
      %get3A_307 = arith.constant 48 : index
      %get3A_308 = tpu.vector_load %arg7[%get3A_305, %get3A_306, %get3A_307] {strides = array<i32>} : memref<2x200x128xf32, #tpu.memory_space<vmem>>, vector<16xf32>,
      %swap3A_309 = arith.constant 1 : i32
      %swap3A_310 = arith.constant 0 : i32
      %swap3A_311 = arith.index_cast %swap3A_309 : i32 to index
      %swap3A_312 = arith.index_cast %swap3A_310 : i32 to index
      %swap3A_313 = arith.index_cast %add3A_267 : i32 to index
      %swap3A_314 = arith.constant 48 : index
      %swap3A_315 = tpu.vector_load %arg8[%swap3A_311, %swap3A_312, %swap3A_313, %swap3A_314] {strides = array<i32>} : memref<2x1x200x64xf32, #tpu.memory_space<vmem>>, vector<16xf32>,
      tpu.vector_store %arg8[%swap3A_311, %swap3A_312, %swap3A_313, %swap3A_314], %get3A_308 {strides = array<i32>} : memref<2x1x200x64xf32, #tpu.memory_space<vmem>>, vector<16xf32>,
    }
    %scan3A_51 = arith.constant 50 : i32
    %add3A_52 = arith.constant 127 : i32
    %add3A_53 = arith.addi %mul3A_2, %add3A_52 : i32
    %dma_start3A_54 = arith.constant 1 : i32
    %dma_start3A_55 = arith.constant 0 : i32
    %dma_start3A_56 = arith.constant 0 : i32
    %dma_start3A_57 = arith.constant 0 : i32
    %dma_start3A_58 = tpu.memref_slice %arg8[%dma_start3A_54, %dma_start3A_55, %dma_start3A_56, %dma_start3A_57] : memref<2x1x200x64xf32, #tpu.memory_space<vmem>> -> memref<1x1x200x64xf32, #tpu.memory_space<vmem>>
    %dma_start3A_59 = tpu.memref_squeeze %dma_start3A_58 : memref<1x1x200x64xf32, #tpu.memory_space<vmem>> -> memref<1x200x64xf32, #tpu.memory_space<vmem>>
    %dma_start3A_60 = arith.constant 0 : i32
    %dma_start3A_61 = arith.constant 0 : i32
    %dma_start3A_62 = tpu.memref_slice %arg4[%add3A_53, %dma_start3A_60, %dma_start3A_61] : memref<4096x200x64xf32, #tpu.memory_space<hbm>> -> memref<1x200x64xf32, #tpu.memory_space<hbm>>
    %dma_start3A_63 = arith.constant 0 : i32
    %dma_start3A_64 = arith.constant 0 : i32
    %dma_start3A_65 = tpu.memref_slice %arg4[%add3A_53, %dma_start3A_63, %dma_start3A_64] : memref<4096x200x64xf32, #tpu.memory_space<hbm>> -> memref<1x200x64xf32, #tpu.memory_space<hbm>>
    %dma_start3A_66 = arith.constant 0 : i32
    %dma_start3A_67 = arith.constant 0 : i32
    %dma_start3A_68 = arith.constant 0 : i32
    %dma_start3A_69 = tpu.memref_slice %arg8[%dma_start3A_54, %dma_start3A_66, %dma_start3A_67, %dma_start3A_68] : memref<2x1x200x64xf32, #tpu.memory_space<vmem>> -> memref<1x1x200x64xf32, #tpu.memory_space<vmem>>
    %dma_start3A_70 = tpu.memref_squeeze %dma_start3A_69 : memref<1x1x200x64xf32, #tpu.memory_space<vmem>> -> memref<1x200x64xf32, #tpu.memory_space<vmem>>
    tpu.enqueue_dma source(%dma_start3A_70 : memref<1x200x64xf32, #tpu.memory_space<vmem>>) target(%dma_start3A_65 : memref<1x200x64xf32, #tpu.memory_space<hbm>>) target_semaphore(%arg14 : memref<!tpu.dma_semaphore, #tpu.memory_space<semaphore_mem>>)
    %add3A_71 = arith.constant 126 : i32
    %add3A_72 = arith.addi %mul3A_2, %add3A_71 : i32
    %dma_wait3A_73 = arith.constant 0 : i32
    %dma_wait3A_74 = arith.constant 0 : i32
    %dma_wait3A_75 = arith.constant 0 : i32
    %dma_wait3A_76 = arith.constant 0 : i32
    %dma_wait3A_77 = tpu.memref_slice %arg8[%dma_wait3A_73, %dma_wait3A_74, %dma_wait3A_75, %dma_wait3A_76] : memref<2x1x200x64xf32, #tpu.memory_space<vmem>> -> memref<1x1x200x64xf32, #tpu.memory_space<vmem>>
    %dma_wait3A_78 = tpu.memref_squeeze %dma_wait3A_77 : memref<1x1x200x64xf32, #tpu.memory_space<vmem>> -> memref<1x200x64xf32, #tpu.memory_space<vmem>>
    %dma_wait3A_79 = arith.constant 0 : i32
    %dma_wait3A_80 = arith.constant 0 : i32
    %dma_wait3A_81 = tpu.memref_slice %arg4[%add3A_72, %dma_wait3A_79, %dma_wait3A_80] : memref<4096x200x64xf32, #tpu.memory_space<hbm>> -> memref<1x200x64xf32, #tpu.memory_space<hbm>>
    %dma_wait3A_82 = arith.constant 0 : i32
    %dma_wait3A_83 = arith.constant 0 : i32
    %dma_wait3A_84 = tpu.memref_slice %arg4[%add3A_72, %dma_wait3A_82, %dma_wait3A_83] : memref<4096x200x64xf32, #tpu.memory_space<hbm>> -> memref<1x200x64xf32, #tpu.memory_space<hbm>>
    %dma_wait3A_85 = arith.constant 0 : i32
    %dma_wait3A_86 = arith.constant 0 : i32
    %dma_wait3A_87 = arith.constant 0 : i32
    %dma_wait3A_88 = tpu.memref_slice %arg8[%dma_wait3A_73, %dma_wait3A_85, %dma_wait3A_86, %dma_wait3A_87] : memref<2x1x200x64xf32, #tpu.memory_space<vmem>> -> memref<1x1x200x64xf32, #tpu.memory_space<vmem>>
    %dma_wait3A_89 = tpu.memref_squeeze %dma_wait3A_88 : memref<1x1x200x64xf32, #tpu.memory_space<vmem>> -> memref<1x200x64xf32, #tpu.memory_space<vmem>>
    tpu.wait_dma2 semaphore(%arg13 : memref<!tpu.dma_semaphore, #tpu.memory_space<semaphore_mem>>) src(%dma_wait3A_89 : memref<1x200x64xf32, #tpu.memory_space<vmem>>) dst(%dma_wait3A_84 : memref<1x200x64xf32, #tpu.memory_space<hbm>>)
    %add3A_90 = arith.constant 127 : i32
    %add3A_91 = arith.addi %mul3A_2, %add3A_90 : i32
    %dma_wait3A_92 = arith.constant 1 : i32
    %dma_wait3A_93 = arith.constant 0 : i32
    %dma_wait3A_94 = arith.constant 0 : i32
    %dma_wait3A_95 = arith.constant 0 : i32
    %dma_wait3A_96 = tpu.memref_slice %arg8[%dma_wait3A_92, %dma_wait3A_93, %dma_wait3A_94, %dma_wait3A_95] : memref<2x1x200x64xf32, #tpu.memory_space<vmem>> -> memref<1x1x200x64xf32, #tpu.memory_space<vmem>>
    %dma_wait3A_97 = tpu.memref_squeeze %dma_wait3A_96 : memref<1x1x200x64xf32, #tpu.memory_space<vmem>> -> memref<1x200x64xf32, #tpu.memory_space<vmem>>
    %dma_wait3A_98 = arith.constant 0 : i32
    %dma_wait3A_99 = arith.constant 0 : i32
    %dma_wait3A_100 = tpu.memref_slice %arg4[%add3A_91, %dma_wait3A_98, %dma_wait3A_99] : memref<4096x200x64xf32, #tpu.memory_space<hbm>> -> memref<1x200x64xf32, #tpu.memory_space<hbm>>
    %dma_wait3A_101 = arith.constant 0 : i32
    %dma_wait3A_102 = arith.constant 0 : i32
    %dma_wait3A_103 = tpu.memref_slice %arg4[%add3A_91, %dma_wait3A_101, %dma_wait3A_102] : memref<4096x200x64xf32, #tpu.memory_space<hbm>> -> memref<1x200x64xf32, #tpu.memory_space<hbm>>
    %dma_wait3A_104 = arith.constant 0 : i32
    %dma_wait3A_105 = arith.constant 0 : i32
    %dma_wait3A_106 = arith.constant 0 : i32
    %dma_wait3A_107 = tpu.memref_slice %arg8[%dma_wait3A_92, %dma_wait3A_104, %dma_wait3A_105, %dma_wait3A_106] : memref<2x1x200x64xf32, #tpu.memory_space<vmem>> -> memref<1x1x200x64xf32, #tpu.memory_space<vmem>>
    %dma_wait3A_108 = tpu.memref_squeeze %dma_wait3A_107 : memref<1x1x200x64xf32, #tpu.memory_space<vmem>> -> memref<1x200x64xf32, #tpu.memory_space<vmem>>
    tpu.wait_dma2 semaphore(%arg14 : memref<!tpu.dma_semaphore, #tpu.memory_space<semaphore_mem>>) src(%dma_wait3A_108 : memref<1x200x64xf32, #tpu.memory_space<vmem>>) dst(%dma_wait3A_103 : memref<1x200x64xf32, #tpu.memory_space<hbm>>)
    return
  }
}

</mosaic_0001>

<sc_bundles>
// kernel: _sc_embed.3.cloned.1.call-start
scs
__scs_entry_jumppad:
0x0: {  	(pc) =	sbr.rel $0x88, $3  }
0x1: {  	(tag) =	ssettag $0x0;
	lr =	simm.s32 $0x1  }
0x2: {  	[smem:$0x3F9F] =	sst lr;
	_ =	strace $0xD0000000  }
0x3: {  	_ = 	snop  }
0x4: {  	_ = 	snop  }
0x5: {  	_ = 	snop  }
0x6: {  	_ = 	snop  }
0x7: {  	_ = 	snop  }
__scs_overlays_trampoline_lowered:
0x8: {  	[smem:$0x3FAE] =	sst s0  }
0x9: {  	[smem:$0x3FAF] =	sst s1  }
0xa: {  	[smem:$0x3FB0] =	sst s2  }
0xb: {  	[smem:$0x3FB1] =	sst s3  }
0xc: {  	[smem:$0x3FB2] =	sst s4  }
0xd: {  	[smem:$0x3FB3] =	sst s5  }
0xe: {  	[smem:$0x3FB4] =	sst s6  }
0xf: {  	[smem:$0x3FB5] =	sst s7  }
0x10: {  	[smem:$0x3FB6] =	sst s8  }
0x11: {  	[smem:$0x3FB7] =	sst s9;
	s0 =	simm.s32 @!p0 $0x0  }
0x12: {  	s1 =	sld [smem:$0x3F9D];
	s0 =	simm.s32 @p0 $0x1  }
0x13: {  	[smem:$0x3FB8] =	sst s0;
	s0 =	simm.s32 @!p1 $0x0  }
0x14: {  	s2 =	sld [smem:$0x3F9C];
	s0 =	simm.s32 @p1 $0x1  }
0x15: {  	[smem:$0x3FB9] =	sst s0;
	s0 =	simm.s32 @!p2 $0x0  }
0x16: {  	s3 =	sld [smem:$0x3FDB];
	s0 =	simm.s32 @p2 $0x1  }
0x17: {  	s4 =	simm.s32 $0x1BF5;
	[smem:$0x3FBB] =	sst s0  }
0x18: {  	s0 =	sld [smem:$0x3F9E];
	_ =	swait.ge [sflag:s4], $0x0  }
0x19: {  	s7 =	sld [smem:$0x3F9F]  }
0x1a: {  	s8 =	sadd.s32 $0xFFFFE003, lr  }
0x1b: {  	s9 =	sadd.s32 $0xFFFFFEF7, lr;
	s5 =	simm.s32 $0xFFFFFFFF;
	p2 =	slt.u32 s8, $0xFFFFF086  }
0x1c: {  	p1 =	slt.u32 s9, $0xF7A;
	s5 =	simm.s32 @!p2 $0x0  }
0x1d: {  	s5 =	simm.s32 @p1 $0x1;
	p0 =	seq.s32 s7, s2  }
0x1e: {  	s7 =	smul.u32 @!p0 $0xF7A, s2;
	p2 =	seq.s32 @!p0 s5, $0x0  }
0x1f: {  	s9 =	smul.u32 $0xF7A, s1;
	s8 =	simm.s32 @!p0 $0x1BF5;
	p2 =	por !p2, p0  }
0x20: {  	[sflag:s8] =	ssyncset.s32 @!p0 $0xFFFFF086;
	s6 =	sadd.s32 @!p0 s3, s7;
	s7 =	simm.s32 @!p0 $0x108  }
0x21: {  	s3 =	sadd.s32 s3, s9;
	s6 =	sadd.s32 @!p0 $0x88, s6;
	s7 =	simm.s32 @p2 $0x1082  }
0x22: {  	[simem:s7], [sflag:s8] =	dma.local @!p0 [hbm:s6], $0xF7A  }
0x23: {  	s9 =	sor.u32 $0xD0000000, s2;
	s6 =	simm.s32 $0x108;
	_ =	swait.ge @!p0 [sflag:s8], $0x0  }
0x24: {  	s3 =	sadd.s32 $0x88, s3;
	s6 =	simm.s32 @!p1 $0x1082;
	[sflag:s4] =	ssyncset.s32 $0xFFFFF086  }
0x25: {  	[simem:s6], [sflag:s4] =	dma.local [hbm:s3], $0xF7A  }
0x26: {  	[smem:$0x3F9F] =	sst s1;
	(tag) =	ssettag s2;
	_ =	strace s9  }
0x27: {  	s1 =	sld [smem:$0x3FAF]  }
0x28: {  	s2 =	sld [smem:$0x3FB0]  }
0x29: {  	s4 =	sld [smem:$0x3FB2]  }
0x2a: {  	p0 =	seq.s32 s5, $0x0;
	s5 =	sld [smem:$0x3FB3]  }
0x2b: {  	s6 =	sld [smem:$0x3FB4]  }
0x2c: {  	s7 =	sld [smem:$0x3FB5]  }
0x2d: {  	s3 =	simm.s32 $0x108;
	s8 =	sld [smem:$0x3FB6]  }
0x2e: {  	s3 =	simm.s32 @!p0 $0x1082;
	s9 =	sld [smem:$0x3FB7]  }
0x2f: {  	lr =	sadd.s32 s0, s3;
	s0 =	sld [smem:$0x3FAE]  }
0x30: {  	s3 =	sld [smem:$0x3FB1]  }
0x31: {  	[smem:$0x3FBA] =	sst s10  }
0x32: {  	s10 =	sld [smem:$0x3FB8];
	_ =	sdelay $0x3  }
0x33: {  	p0 =	seq.s32 s10, $0x1;
	s10 =	sld [smem:$0x3FBA];
	_ =	sdelay $0x3  }
0x34: {  	[smem:$0x3FBA] =	sst s10  }
0x35: {  	s10 =	sld [smem:$0x3FB9];
	_ =	sdelay $0x3  }
0x36: {  	p1 =	seq.s32 s10, $0x1;
	s10 =	sld [smem:$0x3FBA];
	_ =	sdelay $0x3  }
0x37: {  	[smem:$0x3FBA] =	sst s10  }
0x38: {  	s10 =	sld [smem:$0x3FBB]  }
0x39: {  	_ = 	snop;
	(pc) =	sbr.ind lr, $3  }
0x3a: {  	_ = 	snop  }
0x3b: {  	_ = 	snop  }
0x3c: {  	p2 =	seq.s32 s10, $0x1;
	s10 =	sld [smem:$0x3FBA]  }
0x3d: {  	_ =	shalt  }
0x3e: {  	_ =	shalt  }
0x3f: {  	_ =	shalt  }
0x40: {  	_ =	shalt  }
0x41: {  	_ =	shalt  }
0x42: {  	_ =	shalt  }
0x43: {  	_ =	shalt  }
0x44: {  	_ =	shalt  }
0x45: {  	_ =	shalt  }
0x46: {  	_ =	shalt  }
0x47: {  	_ =	shalt  }
0x48: {  	_ =	shalt  }
0x49: {  	_ =	shalt  }
0x4a: {  	_ =	shalt  }
0x4b: {  	_ =	shalt  }
0x4c: {  	_ =	shalt  }
0x4d: {  	_ =	shalt  }
0x4e: {  	_ =	shalt  }
0x4f: {  	_ =	shalt  }
0x50: {  	_ =	shalt  }
0x51: {  	_ =	shalt  }
0x52: {  	_ =	shalt  }
0x53: {  	_ =	shalt  }
0x54: {  	_ =	shalt  }
0x55: {  	_ =	shalt  }
0x56: {  	_ =	shalt  }
0x57: {  	_ =	shalt  }
0x58: {  	_ =	shalt  }
0x59: {  	_ =	shalt  }
0x5a: {  	_ =	shalt  }
0x5b: {  	_ =	shalt  }
0x5c: {  	_ =	shalt  }
0x5d: {  	_ =	shalt  }
0x5e: {  	_ =	shalt  }
0x5f: {  	_ =	shalt  }
0x60: {  	_ =	shalt  }
0x61: {  	_ =	shalt  }
0x62: {  	_ =	shalt  }
0x63: {  	_ =	shalt  }
0x64: {  	_ =	shalt  }
0x65: {  	_ =	shalt  }
0x66: {  	_ =	shalt  }
0x67: {  	_ =	shalt  }
0x68: {  	_ =	shalt  }
0x69: {  	_ =	shalt  }
0x6a: {  	_ =	shalt  }
0x6b: {  	_ =	shalt  }
0x6c: {  	_ =	shalt  }
0x6d: {  	_ =	shalt  }
0x6e: {  	_ =	shalt  }
0x6f: {  	_ =	shalt  }
0x70: {  	_ =	shalt  }
0x71: {  	_ =	shalt  }
0x72: {  	_ =	shalt  }
0x73: {  	_ =	shalt  }
0x74: {  	_ =	shalt  }
0x75: {  	_ =	shalt  }
0x76: {  	_ =	shalt  }
0x77: {  	_ =	shalt  }
0x78: {  	_ =	shalt  }
0x79: {  	_ =	shalt  }
0x7a: {  	_ =	shalt  }
0x7b: {  	_ =	shalt  }
0x7c: {  	_ =	shalt  }
0x7d: {  	_ =	shalt  }
0x7e: {  	_ =	shalt  }
0x7f: {  	_ =	shalt  }
0x80: {  	_ =	shalt  }
0x81: {  	_ =	shalt  }
0x82: {  	_ =	shalt  }
0x83: {  	_ =	shalt  }
0x84: {  	_ =	shalt  }
0x85: {  	_ =	shalt  }
0x86: {  	_ =	shalt  }
0x87: {  	_ =	shalt  }
.Lfunc_end0:
.L_simem_size_0:
called_computation_lowered:
.L_overlay_start_0:
0x88: {  	s2 =	sld [smem:$0x3FD9]  }
0x89: {  	s3 =	sld [smem:$0x3FFE];
	_ =	sdelay $0x1  }
0x8a: {  	s1 =	srdreg.scid  }
0x8b: {  	s0 =	sand.u32 $0x1, s1  }
0x8c: {  	s17 =	sshll.u32 s0, $0xA;
	s2 =	sadd.s32 s3, s2  }
0x8d: {  	s2 =	sadd.s32 s2, s17  }
0x8e: {  	[smem:$0x3FC6] =	sst s2  }
0x8f: {  	_ = 	snop  }
0x90: {  	s2 =	sld [smem:$0x3FC9]  }
0x91: {  	s18 =	sld [smem:$0x3FC8];
	(tm) =	ssettm $0x1  }
0x92: {  	s4 =	sld [smem:$0x3FFB];
	_ =	sdelay $0x3  }
0x93: {  	_ =	strace s4  }
0x94: {  	s4 =	sld [smem:$0x3FFC];
	_ =	sdelay $0x3  }
0x95: {  	_ =	strace s4  }
0x96: {  	s4 =	sld [smem:$0x3FFD];
	_ =	sdelay $0x3  }
0x97: {  	_ =	strace s4  }
0x98: {  	_ =	strace $0x8FFFFFFF  }
0x99: {  	s19 =	sld [smem:$0x3FDB];
	_ =	sdelay $0x1  }
0x9a: {  	s5 =	simm.s32 $_scs_section_size  }
0x9b: {  	s6 =	simm.s32 $_size__tile_overlayer_lowered;
	s7 =	simm.s32 $_tile_overlayer_lowered  }
0x9c: {  	s22 =	simm.s32 $0x1BFF;
	s21 =	sshll.u32 s7, $0x1;
	s4 =	sadd.s32 s5, s19  }
0x9d: {  	s8 =	simm.s32 $0x0;
	s20 =	sshll.u32 s6, $0x1;
	s6 =	sadd.s32 s21, s4  }
0x9e: {  	[timem:s8], [sflag:s22] =	dma.local [hbm:s6], s20  }
0x9f: {  	_ =	swait.ge [sflag:s22], s20  }
0xa0: {  	s5 =	ssub.s32 $0x0, s20;
	[sflag:s22] =	ssyncset.done $0x0  }
0xa1: {  	[sflag:s22] =	ssyncadd.s32 s5;
	_ =	sdelay $0x1  }
0xa2: {  	s23 =	simm.s32 $0x1B8B  }
0xa3: {  	_ =	swait.ge [sflag:s23], $0x1  }
0xa4: {  	[sflag:s23] =	ssyncset.done $0x0  }
0xa5: {  	s25 =	simm.s32 $0x1B8E;
	s24 =	sld [smem:$0x3FFE];
	[sflag:s23] =	ssyncadd.s32 $0xFFFFFFFF  }
0xa6: {  	s26 =	simm.s32 $execute0_lowered;
	[smem:$0x3FD2] =	sst s25  }
0xa7: {  	s6 =	sshll.u32 s26, $0x1;
	_ =	strace $0x80000046;
	[dreg:$0x1] =	wrdreg $0xFFFFFFFF  }
0xa8: {  	s28 =	simm.s32 $_size_execute0_lowered;
	s4 =	sadd.s32 s4, s6;
	[dreg:$0x0] =	wrdreg $0x0  }
0xa9: {  	s6 =	sshll.u32 s28, $0x1;
	[dreg:$0x2] =	wrdreg s4  }
0xaa: {  	[dreg:$0x3] =	wrdreg s6  }
0xab: {  	[dreg:$0x4] =	wrdreg $0xC0  }
0xac: {  	_ =	task [dreg:s8], $0x5FFFF  }
0xad: {  	[dreg:$0x1] =	wrdreg $0xFFFFFFFF  }
0xae: {  	[dreg:$0x0] =	wrdreg $0x60  }
0xaf: {  	[dreg:$0x2] =	wrdreg s2  }
0xb0: {  	[dreg:$0x3] =	wrdreg s18  }
0xb1: {  	[dreg:$0x4] =	wrdreg s24  }
0xb2: {  	[dreg:$0x5] =	wrdreg $0x9  }
0xb3: {  	_ =	task.clear_ibuf [dreg:s8], $0x6FFFF;
	_ =	strace $0x90000046  }
0xb4: {  	s29 =	simm.s32 $0x9;
	_ =	strace $0x80000048  }
0xb5: {  	_ =	swait.ge [sflag:s29], $0x1  }
0xb6: {  	[sflag:s29] =	ssyncadd.s32 $0xFFFFFFFF  }
0xb7: {  	_ =	strace $0x90000048  }
0xb8: {  	_ =	sfence  }
0xb9: {  	s30 =	sld [smem:$0x0];
	_ =	sdelay $0x2  }
0xba: {  	s31 =	sshll.u32 s1, $0xD;
	s1 =	sshrl.u32 s1, $0x2  }
0xbb: {  	s3 =	sand.u32 $0x4000, s31;
	s1 =	sadd.s32 s1, s30  }
0xbc: {  	s0 =	sor.u32 s3, s0;
	s1 =	sshll.u32 s1, $0x11  }
0xbd: {  	s0 =	sor.u32 s1, s0  }
0xbe: {  	s0 =	sadd.s32 $0x8F2B, s0  }
0xbf: {  	[sflag:s0] =	ssyncadd.remote.s32 $0x1  }
0xc0: {  	_ =	sfence.sel $0xFFFF  }
0xc1: {  	[dreg:$0x0] =	wrdreg $0xFFFFFFFF;
	(pc) =	sbr.abs _section_cstart, $3  }
0xc2: {  	[dreg:$0x1] =	wrdreg $0xFFFFFFFF  }
0xc3: {  	_ =	task.clear_ibuf [dreg:s8], $0x2FFFF;
	_ =	strace $0x9FFFFFFF  }
0xc4: {  	(tm) =	ssettm $0x7FFFFFFF  }
0xc5: {  	_ =	shalt  }
tec
execute0_lowered:
.L_overlay_start_1:
0x0: {  	(tag) =	ssettag $0x1  }
0x1: {  	s1 =	rddreg [dreg:$0x0]  }
0x2: {  	s3 =	rddreg [dreg:$0x1];
	s2 =	srdreg.scid  }
0x3: {  	s0 =	stileid.u32;
	s5 =	rddreg [dreg:$0x2];
	s4 =	simm.s32 $0x0  }
0x4: {  	s13 =	simm.s32 $0x100;
	s14 =	simm.s32 $0x1;
	s15 =	simm.s32 $0xC8  }
0x5: {  	s16 =	simm.s32 $0x200;
	s17 =	simm.s32 $0x2;
	s18 =	simm.s32 $0x6600  }
0x6: {  	s19 =	simm.s32 $0xCA00;
	s20 =	simm.s32 $0x4;
	s21 =	simm.s32 $0x6  }
0x7: {  	s22 =	simm.s32 $0x12E00;
	s23 =	simm.s32 $0x5;
	s24 =	simm.s32 $0x3  }
0x8: {  	s25 =	simm.s32 $0x0;
	s2 =	sand.u32 $0x1, s2;
	s6 =	sshll.u32 s0, $0x1  }
0x9: {  	[smem:$0x7FF] =	sst s4;
	s5 =	sadd.s32 $0x400, s5;
	s7 =	sor.u32 s2, s6  }
0xa: {  	s2 =	ssub.s32 $0x2, s2;
	_ =	strace $0x80000047;
	s9 =	smul.u32 $0x320000, s7  }
0xb: {  	s6 =	smul.u32 $0xC80, s7;
	s8 =	sshrl.u32 s2, $0x1;
	s7 =	sshll.u32 s7, $0x7  }
0xc: {  	s2 =	ssub.s32 s2, s8;
	s10 =	sor.u32 $0x2, s7;
	s11 =	sshrl.u32 s9, $0x3  }
0xd: {  	s6 =	sadd.s32 s3, s6;
	s9 =	sadd.s32 $0xFFFFFFFF, s7;
	s11 =	sadd.s32 s5, s11  }
0xe: {  	s12 =	smax.u32 s2, $0x1;
	s8 =	sadd.s32 $0x19, s6;
	s11 =	sadd.s32 $0x63380, s11  }
.LBB2_1:
0xf: {  	[tilespmem:s4], [sflag:$0x1] =	stream.linear.gather [hbm4b:s6+s4], $0xC8, $0x38;
	[tilespmem:$0x19200] =	vst v63  }
0x10: {  	s26 =	simm.s32 $0x0  }
0x11: {  	[tilespmem:s13], [sflag:$0x2] =	stream.linear.gather [hbm4b:s8+s4], $0xC8, $0x38;
	[tilespmem:$0x19200] =	vst v63  }
.LBB2_2:
0x12: {  	p0 =	seq.s32 s26, $0x0  }
.Ltmp0:
0x13: {  	_ = 	snop;
	(pc) =	sbr.rel @p0 .LBB2_6-.Ltmp0, $4  }
0x14: {  	_ =	swait.ge [sflag:s14], $0xC8  }
0x15: {  	[sflag:s14] =	ssyncset.done $0x0  }
0x16: {  	s28 =	sshll.u32 s26, $0x1;
	[sflag:s14] =	ssyncadd.s32 $0xFFFFFF38  }
0x17: {  	[tilespmem:s16], [sflag:$0x3] =	stream.indirect.gather [hbm4b:s1+s15], $0x80, s4, s15, $0xb8;
	[tilespmem:$0x19200] =	vst v63  }
0x18: {  	_ =	swait.ge [sflag:s20], $0x6400  }
0x19: {  	p0 =	seq.s32 s26, $0x1;
	[sflag:s20] =	ssyncset.done $0x0  }
0x1a: {  	s2 =	simm.s32 @!p0 $0x6;
	[sflag:s20] =	ssyncadd.s32 $0xFFFF9C00  }
0x1b: {  	_ =	swait.ge @!p0 [sflag:s2], $0x6400  }
0x1c: {  	[sflag:s2] =	ssyncset.done @!p0 $0x0  }
0x1d: {  	s29 =	simm.s32 $0x0;
	[sflag:s2] =	ssyncadd.s32 @!p0 $0xFFFF9C00  }
0x1e: {  	v0 =	vld [tilespmem:s29+$0x67B0]  }
0x1f: {  	v1 =	vld [tilespmem:s29+$0x6600]  }
0x20: {  	v2 =	vld [tilespmem:s29+$0x6610]  }
0x21: {  	v3 =	vld [tilespmem:s29+$0x6620]  }
0x22: {  	v4 =	vld [tilespmem:s29+$0x6630]  }
0x23: {  	v5 =	vld [tilespmem:s29+$0x6680];
	[tilespmem:s29+$0x12FB0] =	vst v0  }
0x24: {  	[tilespmem:s29+$0x12E00] =	vst v1;
	v0 =	vld [tilespmem:s29+$0x6690]  }
0x25: {  	[tilespmem:s29+$0x12E10] =	vst v2;
	v1 =	vld [tilespmem:s29+$0x66A0]  }
0x26: {  	[tilespmem:s29+$0x12E20] =	vst v3;
	v2 =	vld [tilespmem:s29+$0x66B0]  }
0x27: {  	[tilespmem:s29+$0x12E30] =	vst v4;
	v3 =	vld [tilespmem:s29+$0x6700]  }
0x28: {  	[tilespmem:s29+$0x12E80] =	vst v5;
	v4 =	vld [tilespmem:s29+$0x6710]  }
0x29: {  	[tilespmem:s29+$0x12E90] =	vst v0;
	v0 =	vld [tilespmem:s29+$0x6720]  }
0x2a: {  	[tilespmem:s29+$0x12EA0] =	vst v1;
	v1 =	vld [tilespmem:s29+$0x6730]  }
0x2b: {  	[tilespmem:s29+$0x12EB0] =	vst v2;
	v2 =	vld [tilespmem:s29+$0x6780]  }
0x2c: {  	[tilespmem:s29+$0x12F00] =	vst v3;
	v3 =	vld [tilespmem:s29+$0x6790]  }
0x2d: {  	s30 =	simm.s32 $0x200;
	s31 =	simm.s32 $0x1000;
	[tilespmem:s29+$0x12F10] =	vst v4;
	v4 =	vld [tilespmem:s29+$0x67A0]  }
.LBB2_4:
0x2e: {  	p0 =	sne.s32 s31, $0x18800;
	v5 =	vld [tilespmem:s30+$0x67B0];
	[tilespmem:s29+$0x12F20] =	vst v0  }
0x2f: {  	v0 =	vld [tilespmem:s30+$0x6600];
	[tilespmem:s29+$0x12F30] =	vst v1  }
0x30: {  	v1 =	vld [tilespmem:s30+$0x6610];
	[tilespmem:s29+$0x12F80] =	vst v2  }
0x31: {  	v2 =	vld [tilespmem:s30+$0x6620];
	[tilespmem:s29+$0x12F90] =	vst v3  }
0x32: {  	v3 =	vld [tilespmem:s30+$0x6630];
	[tilespmem:s29+$0x12FA0] =	vst v4;
	s29 =	smov.u32 s30  }
0x33: {  	v4 =	vld [tilespmem:s29+$0x6680];
	[tilespmem:s29+$0x12FB0] =	vst v5  }
0x34: {  	[tilespmem:s29+$0x12E00] =	vst v0;
	v0 =	vld [tilespmem:s29+$0x6690]  }
0x35: {  	[tilespmem:s29+$0x12E10] =	vst v1;
	v1 =	vld [tilespmem:s29+$0x66A0]  }
0x36: {  	[tilespmem:s29+$0x12E20] =	vst v2;
	v2 =	vld [tilespmem:s29+$0x66B0]  }
0x37: {  	[tilespmem:s29+$0x12E30] =	vst v3;
	v3 =	vld [tilespmem:s29+$0x6700]  }
0x38: {  	[tilespmem:s29+$0x12E80] =	vst v4;
	v4 =	vld [tilespmem:s29+$0x6710]  }
.Ltmp1:
0x39: {  	[tilespmem:s29+$0x12E90] =	vst v0;
	v0 =	vld [tilespmem:s29+$0x6720];
	(pc) =	sbr.rel @p0 .LBB2_4-.Ltmp1, $4  }
0x3a: {  	[tilespmem:s29+$0x12EA0] =	vst v1;
	v1 =	vld [tilespmem:s29+$0x6730]  }
0x3b: {  	[tilespmem:s29+$0x12EB0] =	vst v2;
	v2 =	vld [tilespmem:s29+$0x6780]  }
0x3c: {  	[tilespmem:s29+$0x12F00] =	vst v3;
	v3 =	vld [tilespmem:s29+$0x6790]  }
0x3d: {  	s30 =	sshra.s32 s31, $0x2;
	s31 =	sadd.s32 $0x800, s31;
	[tilespmem:s29+$0x12F10] =	vst v4;
	v4 =	vld [tilespmem:s29+$0x67A0]  }
0x3e: {  	v5 =	vld [tilespmem:s30+$0x67B0];
	[tilespmem:s29+$0x12F20] =	vst v0  }
0x3f: {  	v0 =	vld [tilespmem:s30+$0x6600];
	[tilespmem:s29+$0x12F30] =	vst v1  }
0x40: {  	v1 =	vld [tilespmem:s30+$0x6610];
	[tilespmem:s29+$0x12F80] =	vst v2  }
0x41: {  	v2 =	vld [tilespmem:s30+$0x6620];
	[tilespmem:s29+$0x12F90] =	vst v3  }
0x42: {  	v3 =	vld [tilespmem:s30+$0x6630];
	[tilespmem:s29+$0x12FA0] =	vst v4  }
0x43: {  	v4 =	vld [tilespmem:s30+$0x6680];
	[tilespmem:s30+$0x12FB0] =	vst v5  }
0x44: {  	v54 =	vld [tilespmem:s30+$0x6690];
	[tilespmem:s30+$0x12E00] =	vst v0  }
0x45: {  	v55 =	vld [tilespmem:s30+$0x66A0];
	[tilespmem:s30+$0x12E10] =	vst v1  }
0x46: {  	v56 =	vld [tilespmem:s30+$0x66B0];
	[tilespmem:s30+$0x12E20] =	vst v2  }
0x47: {  	v57 =	vld [tilespmem:s30+$0x6700];
	[tilespmem:s30+$0x12E30] =	vst v3  }
0x48: {  	v58 =	vld [tilespmem:s30+$0x6710];
	[tilespmem:s30+$0x12E80] =	vst v4  }
0x49: {  	v59 =	vld [tilespmem:s30+$0x6720];
	[tilespmem:s30+$0x12E90] =	vst v54  }
0x4a: {  	v60 =	vld [tilespmem:s30+$0x6730];
	[tilespmem:s30+$0x12EA0] =	vst v55  }
0x4b: {  	v61 =	vld [tilespmem:s30+$0x6780];
	[tilespmem:s30+$0x12EB0] =	vst v56  }
0x4c: {  	v62 =	vld [tilespmem:s30+$0x6790];
	[tilespmem:s30+$0x12F00] =	vst v57  }
0x4d: {  	v63 =	vld [tilespmem:s30+$0x67A0];
	[tilespmem:s30+$0x12F10] =	vst v58  }
0x4e: {  	s2 =	sadd.s32 s28, s9;
	[tilespmem:s30+$0x12F20] =	vst v59  }
0x4f: {  	s31 =	sadd.s32 s28, s7;
	s2 =	smul.u32 $0x6400, s2;
	[tilespmem:s30+$0x12F30] =	vst v60  }
0x50: {  	s29 =	smul.u32 $0x19, s31;
	[tilespmem:s30+$0x12F80] =	vst v61  }
0x51: {  	s2 =	sshrl.u32 s2, $0x3;
	[tilespmem:s30+$0x12F90] =	vst v62  }
0x52: {  	s2 =	sadd.s32 s5, s2;
	s31 =	sadd.s32 s3, s29;
	[tilespmem:s30+$0x12FA0] =	vst v63  }
0x53: {  	[hbm4b:s2+s4] =	stream.linear.scatter [tilespmem:s22], [sflag:$0x6], $0x6400, $0x38;
	[tilespmem:$0x19200] =	vst v63  }
0x54: {  	s2 =	sadd.s32 $0x19, s31  }
0x55: {  	[tilespmem:s13], [sflag:$0x2] =	stream.linear.gather [hbm4b:s2+s4], $0xC8, $0x38;
	[tilespmem:$0x19200] =	vst v63  }
0x56: {  	_ =	swait.ge [sflag:s17], $0xC8  }
0x57: {  	[sflag:s17] =	ssyncset.done $0x0  }
.Ltmp2:
0x58: {  	[sflag:s17] =	ssyncadd.s32 $0xFFFFFF38;
	(pc) =	sbr.rel .LBB2_7-.Ltmp2, $4  }
0x59: {  	[tilespmem:s18], [sflag:$0x4] =	stream.indirect.gather [hbm4b:s1+s15], $0x80, s13, s15, $0xb8;
	[tilespmem:$0x19200] =	vst v63  }
0x5a: {  	_ =	swait.ge [sflag:s24], $0x6400  }
0x5b: {  	[sflag:s24] =	ssyncset.done $0x0  }
0x5c: {  	s2 =	simm.s32 $0x5;
	[sflag:s24] =	ssyncadd.s32 $0xFFFF9C00  }
.LBB2_6:
0x5d: {  	_ =	swait.ge [sflag:s17], $0xC8  }
0x5e: {  	[sflag:s17] =	ssyncset.done $0x0  }
0x5f: {  	s2 =	simm.s32 $0x3;
	[sflag:s17] =	ssyncadd.s32 $0xFFFFFF38  }
0x60: {  	[tilespmem:s18], [sflag:$0x4] =	stream.indirect.gather [hbm4b:s1+s15], $0x80, s13, s15, $0xb8;
	[tilespmem:$0x19200] =	vst v63  }
.LBB2_7:
0x61: {  	_ =	swait.ge [sflag:s2], $0x6400  }
0x62: {  	[sflag:s2] =	ssyncset.done $0x0  }
0x63: {  	s29 =	simm.s32 $0x0;
	[sflag:s2] =	ssyncadd.s32 $0xFFFF9C00  }
0x64: {  	v0 =	vld [tilespmem:s29+$0x3B0]  }
0x65: {  	v1 =	vld [tilespmem:s29+$0x200]  }
0x66: {  	v2 =	vld [tilespmem:s29+$0x210]  }
0x67: {  	v3 =	vld [tilespmem:s29+$0x220]  }
0x68: {  	v4 =	vld [tilespmem:s29+$0x230]  }
0x69: {  	v5 =	vld [tilespmem:s29+$0x280];
	[tilespmem:s29+$0xCBB0] =	vst v0  }
0x6a: {  	[tilespmem:s29+$0xCA00] =	vst v1;
	v0 =	vld [tilespmem:s29+$0x290]  }
0x6b: {  	[tilespmem:s29+$0xCA10] =	vst v2;
	v1 =	vld [tilespmem:s29+$0x2A0]  }
0x6c: {  	[tilespmem:s29+$0xCA20] =	vst v3;
	v2 =	vld [tilespmem:s29+$0x2B0]  }
0x6d: {  	[tilespmem:s29+$0xCA30] =	vst v4;
	v3 =	vld [tilespmem:s29+$0x300]  }
0x6e: {  	[tilespmem:s29+$0xCA80] =	vst v5;
	v4 =	vld [tilespmem:s29+$0x310]  }
0x6f: {  	[tilespmem:s29+$0xCA90] =	vst v0;
	v0 =	vld [tilespmem:s29+$0x320]  }
0x70: {  	[tilespmem:s29+$0xCAA0] =	vst v1;
	v1 =	vld [tilespmem:s29+$0x330]  }
0x71: {  	[tilespmem:s29+$0xCAB0] =	vst v2;
	v2 =	vld [tilespmem:s29+$0x380]  }
0x72: {  	[tilespmem:s29+$0xCB00] =	vst v3;
	v3 =	vld [tilespmem:s29+$0x390]  }
0x73: {  	s30 =	sadd.s32 s7, s28;
	s31 =	simm.s32 $0x200;
	s2 =	simm.s32 $0x1000;
	[tilespmem:s29+$0xCB10] =	vst v4;
	v4 =	vld [tilespmem:s29+$0x3A0]  }
.LBB2_8:
0x74: {  	p0 =	sne.s32 s2, $0x18800;
	v5 =	vld [tilespmem:s31+$0x3B0];
	[tilespmem:s29+$0xCB20] =	vst v0  }
0x75: {  	v0 =	vld [tilespmem:s31+$0x200];
	[tilespmem:s29+$0xCB30] =	vst v1  }
0x76: {  	v1 =	vld [tilespmem:s31+$0x210];
	[tilespmem:s29+$0xCB80] =	vst v2  }
0x77: {  	v2 =	vld [tilespmem:s31+$0x220];
	[tilespmem:s29+$0xCB90] =	vst v3  }
0x78: {  	v3 =	vld [tilespmem:s31+$0x230];
	[tilespmem:s29+$0xCBA0] =	vst v4;
	s29 =	smov.u32 s31  }
0x79: {  	v4 =	vld [tilespmem:s29+$0x280];
	[tilespmem:s29+$0xCBB0] =	vst v5  }
0x7a: {  	[tilespmem:s29+$0xCA00] =	vst v0;
	v0 =	vld [tilespmem:s29+$0x290]  }
0x7b: {  	[tilespmem:s29+$0xCA10] =	vst v1;
	v1 =	vld [tilespmem:s29+$0x2A0]  }
0x7c: {  	[tilespmem:s29+$0xCA20] =	vst v2;
	v2 =	vld [tilespmem:s29+$0x2B0]  }
0x7d: {  	[tilespmem:s29+$0xCA30] =	vst v3;
	v3 =	vld [tilespmem:s29+$0x300]  }
0x7e: {  	[tilespmem:s29+$0xCA80] =	vst v4;
	v4 =	vld [tilespmem:s29+$0x310]  }
.Ltmp3:
0x7f: {  	[tilespmem:s29+$0xCA90] =	vst v0;
	v0 =	vld [tilespmem:s29+$0x320];
	(pc) =	sbr.rel @p0 .LBB2_8-.Ltmp3, $4  }
0x80: {  	[tilespmem:s29+$0xCAA0] =	vst v1;
	v1 =	vld [tilespmem:s29+$0x330]  }
0x81: {  	[tilespmem:s29+$0xCAB0] =	vst v2;
	v2 =	vld [tilespmem:s29+$0x380]  }
0x82: {  	[tilespmem:s29+$0xCB00] =	vst v3;
	v3 =	vld [tilespmem:s29+$0x390]  }
0x83: {  	s31 =	sshra.s32 s2, $0x2;
	s2 =	sadd.s32 $0x800, s2;
	[tilespmem:s29+$0xCB10] =	vst v4;
	v4 =	vld [tilespmem:s29+$0x3A0]  }
0x84: {  	v5 =	vld [tilespmem:s31+$0x3B0];
	[tilespmem:s29+$0xCB20] =	vst v0  }
0x85: {  	v0 =	vld [tilespmem:s31+$0x200];
	[tilespmem:s29+$0xCB30] =	vst v1  }
0x86: {  	v1 =	vld [tilespmem:s31+$0x210];
	[tilespmem:s29+$0xCB80] =	vst v2  }
0x87: {  	v2 =	vld [tilespmem:s31+$0x220];
	[tilespmem:s29+$0xCB90] =	vst v3  }
0x88: {  	v3 =	vld [tilespmem:s31+$0x230];
	[tilespmem:s29+$0xCBA0] =	vst v4  }
0x89: {  	v4 =	vld [tilespmem:s31+$0x280];
	[tilespmem:s31+$0xCBB0] =	vst v5  }
0x8a: {  	v54 =	vld [tilespmem:s31+$0x290];
	[tilespmem:s31+$0xCA00] =	vst v0  }
0x8b: {  	v55 =	vld [tilespmem:s31+$0x2A0];
	[tilespmem:s31+$0xCA10] =	vst v1  }
0x8c: {  	v56 =	vld [tilespmem:s31+$0x2B0];
	[tilespmem:s31+$0xCA20] =	vst v2  }
0x8d: {  	v57 =	vld [tilespmem:s31+$0x300];
	[tilespmem:s31+$0xCA30] =	vst v3  }
0x8e: {  	v58 =	vld [tilespmem:s31+$0x310];
	[tilespmem:s31+$0xCA80] =	vst v4  }
0x8f: {  	v59 =	vld [tilespmem:s31+$0x320];
	[tilespmem:s31+$0xCA90] =	vst v54  }
0x90: {  	v60 =	vld [tilespmem:s31+$0x330];
	[tilespmem:s31+$0xCAA0] =	vst v55  }
0x91: {  	v61 =	vld [tilespmem:s31+$0x380];
	[tilespmem:s31+$0xCAB0] =	vst v56  }
0x92: {  	v62 =	vld [tilespmem:s31+$0x390];
	[tilespmem:s31+$0xCB00] =	vst v57  }
0x93: {  	v63 =	vld [tilespmem:s31+$0x3A0];
	[tilespmem:s31+$0xCB10] =	vst v58  }
0x94: {  	p0 =	seq.s32 s26, $0x3F;
	[tilespmem:s31+$0xCB20] =	vst v59  }
.Ltmp4:
0x95: {  	[tilespmem:s31+$0xCB30] =	vst v60;
	(pc) =	sbr.rel @p0 .LBB2_11-.Ltmp4, $4  }
0x96: {  	s2 =	smul.u32 $0xC80, s30;
	[tilespmem:s31+$0xCB80] =	vst v61  }
0x97: {  	[tilespmem:s31+$0xCB90] =	vst v62  }
0x98: {  	s2 =	sadd.s32 s5, s2;
	[tilespmem:s31+$0xCBA0] =	vst v63  }
0x99: {  	[hbm4b:s2+s4] =	stream.linear.scatter [tilespmem:s19], [sflag:$0x5], $0x6400, $0x38;
	[tilespmem:$0x19200] =	vst v63  }
.Ltmp5:
0x9a: {  	s2 =	sadd.s32 s28, s10;
	(pc) =	sbr.rel .LBB2_2-.Ltmp5, $3  }
0x9b: {  	s2 =	smul.u32 $0x19, s2;
	_ =	sdelay $0x1  }
0x9c: {  	s26 =	sadd.s32 $0x1, s26;
	s2 =	sadd.s32 s3, s2  }
0x9d: {  	[tilespmem:s4], [sflag:$0x1] =	stream.linear.gather [hbm4b:s2+s4], $0xC8, $0x38;
	[tilespmem:$0x19200] =	vst v63  }
.LBB2_11:
0x9e: {  	_ =	swait.ge [sflag:s20], $0x6400  }
0x9f: {  	[sflag:s20] =	ssyncset.done $0x0  }
0xa0: {  	[sflag:s20] =	ssyncadd.s32 $0xFFFF9C00  }
0xa1: {  	_ =	swait.ge [sflag:s21], $0x6400  }
0xa2: {  	[sflag:s21] =	ssyncset.done $0x0  }
0xa3: {  	s26 =	simm.s32 $0x0;
	[sflag:s21] =	ssyncadd.s32 $0xFFFF9C00  }
0xa4: {  	v0 =	vld [tilespmem:s26+$0x67B0]  }
0xa5: {  	v1 =	vld [tilespmem:s26+$0x6600]  }
0xa6: {  	v2 =	vld [tilespmem:s26+$0x6610]  }
0xa7: {  	v3 =	vld [tilespmem:s26+$0x6620]  }
0xa8: {  	v4 =	vld [tilespmem:s26+$0x6630]  }
0xa9: {  	v5 =	vld [tilespmem:s26+$0x6680];
	[tilespmem:s26+$0x12FB0] =	vst v0  }
0xaa: {  	[tilespmem:s26+$0x12E00] =	vst v1;
	v0 =	vld [tilespmem:s26+$0x6690]  }
0xab: {  	[tilespmem:s26+$0x12E10] =	vst v2;
	v1 =	vld [tilespmem:s26+$0x66A0]  }
0xac: {  	[tilespmem:s26+$0x12E20] =	vst v3;
	v2 =	vld [tilespmem:s26+$0x66B0]  }
0xad: {  	[tilespmem:s26+$0x12E30] =	vst v4;
	v3 =	vld [tilespmem:s26+$0x6700]  }
0xae: {  	[tilespmem:s26+$0x12E80] =	vst v5;
	v4 =	vld [tilespmem:s26+$0x6710]  }
0xaf: {  	[tilespmem:s26+$0x12E90] =	vst v0;
	v0 =	vld [tilespmem:s26+$0x6720]  }
0xb0: {  	[tilespmem:s26+$0x12EA0] =	vst v1;
	v1 =	vld [tilespmem:s26+$0x6730]  }
0xb1: {  	[tilespmem:s26+$0x12EB0] =	vst v2;
	v2 =	vld [tilespmem:s26+$0x6780]  }
0xb2: {  	[tilespmem:s26+$0x12F00] =	vst v3;
	v3 =	vld [tilespmem:s26+$0x6790]  }
0xb3: {  	s28 =	simm.s32 $0x200;
	s2 =	simm.s32 $0x1000;
	[tilespmem:s26+$0x12F10] =	vst v4;
	v4 =	vld [tilespmem:s26+$0x67A0]  }
.LBB2_12:
0xb4: {  	p0 =	sne.s32 s2, $0x18800;
	v5 =	vld [tilespmem:s28+$0x67B0];
	[tilespmem:s26+$0x12F20] =	vst v0  }
0xb5: {  	v0 =	vld [tilespmem:s28+$0x6600];
	[tilespmem:s26+$0x12F30] =	vst v1  }
0xb6: {  	v1 =	vld [tilespmem:s28+$0x6610];
	[tilespmem:s26+$0x12F80] =	vst v2  }
0xb7: {  	v2 =	vld [tilespmem:s28+$0x6620];
	[tilespmem:s26+$0x12F90] =	vst v3  }
0xb8: {  	v3 =	vld [tilespmem:s28+$0x6630];
	[tilespmem:s26+$0x12FA0] =	vst v4;
	s26 =	smov.u32 s28  }
0xb9: {  	v4 =	vld [tilespmem:s26+$0x6680];
	[tilespmem:s26+$0x12FB0] =	vst v5  }
0xba: {  	[tilespmem:s26+$0x12E00] =	vst v0;
	v0 =	vld [tilespmem:s26+$0x6690]  }
0xbb: {  	[tilespmem:s26+$0x12E10] =	vst v1;
	v1 =	vld [tilespmem:s26+$0x66A0]  }
0xbc: {  	[tilespmem:s26+$0x12E20] =	vst v2;
	v2 =	vld [tilespmem:s26+$0x66B0]  }
0xbd: {  	[tilespmem:s26+$0x12E30] =	vst v3;
	v3 =	vld [tilespmem:s26+$0x6700]  }
0xbe: {  	[tilespmem:s26+$0x12E80] =	vst v4;
	v4 =	vld [tilespmem:s26+$0x6710]  }
.Ltmp6:
0xbf: {  	[tilespmem:s26+$0x12E90] =	vst v0;
	v0 =	vld [tilespmem:s26+$0x6720];
	(pc) =	sbr.rel @p0 .LBB2_12-.Ltmp6, $4  }
0xc0: {  	[tilespmem:s26+$0x12EA0] =	vst v1;
	v1 =	vld [tilespmem:s26+$0x6730]  }
0xc1: {  	[tilespmem:s26+$0x12EB0] =	vst v2;
	v2 =	vld [tilespmem:s26+$0x6780]  }
0xc2: {  	[tilespmem:s26+$0x12F00] =	vst v3;
	v3 =	vld [tilespmem:s26+$0x6790]  }
0xc3: {  	s28 =	sshra.s32 s2, $0x2;
	s2 =	sadd.s32 $0x800, s2;
	[tilespmem:s26+$0x12F10] =	vst v4;
	v4 =	vld [tilespmem:s26+$0x67A0]  }
0xc4: {  	v5 =	vld [tilespmem:s28+$0x67B0];
	[tilespmem:s26+$0x12F20] =	vst v0  }
0xc5: {  	v0 =	vld [tilespmem:s28+$0x6600];
	[tilespmem:s26+$0x12F30] =	vst v1  }
0xc6: {  	v1 =	vld [tilespmem:s28+$0x6610];
	[tilespmem:s26+$0x12F80] =	vst v2  }
0xc7: {  	v2 =	vld [tilespmem:s28+$0x6620];
	[tilespmem:s26+$0x12F90] =	vst v3  }
0xc8: {  	v3 =	vld [tilespmem:s28+$0x6630];
	[tilespmem:s26+$0x12FA0] =	vst v4  }
0xc9: {  	v4 =	vld [tilespmem:s28+$0x6680];
	[tilespmem:s28+$0x12FB0] =	vst v5  }
0xca: {  	v54 =	vld [tilespmem:s28+$0x6690];
	[tilespmem:s28+$0x12E00] =	vst v0  }
0xcb: {  	v55 =	vld [tilespmem:s28+$0x66A0];
	[tilespmem:s28+$0x12E10] =	vst v1  }
0xcc: {  	v56 =	vld [tilespmem:s28+$0x66B0];
	[tilespmem:s28+$0x12E20] =	vst v2  }
0xcd: {  	v57 =	vld [tilespmem:s28+$0x6700];
	[tilespmem:s28+$0x12E30] =	vst v3  }
0xce: {  	v58 =	vld [tilespmem:s28+$0x6710];
	[tilespmem:s28+$0x12E80] =	vst v4  }
0xcf: {  	v59 =	vld [tilespmem:s28+$0x6720];
	[tilespmem:s28+$0x12E90] =	vst v54  }
0xd0: {  	v60 =	vld [tilespmem:s28+$0x6730];
	[tilespmem:s28+$0x12EA0] =	vst v55  }
0xd1: {  	v61 =	vld [tilespmem:s28+$0x6780];
	[tilespmem:s28+$0x12EB0] =	vst v56  }
0xd2: {  	v62 =	vld [tilespmem:s28+$0x6790];
	[tilespmem:s28+$0x12F00] =	vst v57  }
0xd3: {  	v63 =	vld [tilespmem:s28+$0x67A0];
	[tilespmem:s28+$0x12F10] =	vst v58  }
0xd4: {  	[tilespmem:s28+$0x12F20] =	vst v59  }
0xd5: {  	[tilespmem:s28+$0x12F30] =	vst v60  }
0xd6: {  	[tilespmem:s28+$0x12F80] =	vst v61  }
0xd7: {  	[tilespmem:s28+$0x12F90] =	vst v62  }
0xd8: {  	s25 =	sadd.s32 $0x1, s25;
	[tilespmem:s28+$0x12FA0] =	vst v63  }
0xd9: {  	[hbm4b:s11+s4] =	stream.linear.scatter [tilespmem:s22], [sflag:$0x6], $0x6400, $0x38;
	[tilespmem:$0x19200] =	vst v63  }
0xda: {  	p0 =	sne.s32 s25, s12;
	_ =	swait.ge [sflag:s23], $0x6400  }
.Ltmp7:
0xdb: {  	[sflag:s23] =	ssyncset.done $0x0;
	(pc) =	sbr.rel @p0 .LBB2_1-.Ltmp7, $4  }
0xdc: {  	[sflag:s23] =	ssyncadd.s32 $0xFFFF9C00  }
0xdd: {  	_ =	swait.ge [sflag:s21], $0x6400  }
0xde: {  	[sflag:s21] =	ssyncset.done $0x0  }
0xdf: {  	[sflag:s21] =	ssyncadd.s32 $0xFFFF9C00  }
0xe0: {  	_ =	sfence.sel $0x180000  }
0xe1: {  	[bflag:$0x0] =	sbarrier.arrive $0xFFFF  }
0xe2: {  	_ =	strace $0x90000047  }
0xe3: {  	[bflag:$0x2] =	sbarrier.arrive $0xFFFF  }
0xe4: {  	p0 =	sne.s32 s0, $0x0;
	s0 =	rddreg [dreg:$0x3]  }
0xe5: {  	s0 =	sadd.s32 @!p0 $0x100000, s0  }
0xe6: {  	[sflag:s0] =	ssyncadd.tile.s32 @!p0 $0x1;
	_ =	shalt  }
.Lfunc_end2:
_tile_overlayer_lowered:
.L_overlay_start_2:
0xe7: {  	(tag) =	ssettag $0x2  }
0xe8: {  	s0 =	rddreg [dreg:$0x0];
	s2 =	stileid.u32  }
0xe9: {  	s1 =	rddreg [dreg:$0x1];
	p0 =	sne.s32 s2, $0x0  }
0xea: {  	s3 =	rddreg [dreg:$0x2];
	[bflag:$0x3] =	sbarrier.arrive $0xFFFF;
	s2 =	simm.s32 @!p0 $0x1C07  }
0xeb: {  	[timem:s3], [sflag:s2] =	dma.local @!p0 [hbm:s0], s1  }
0xec: {  	s0 =	simm.s32 @!p0 $0x7  }
0xed: {  	_ =	swait.ge @!p0 [sflag:s0], s1  }
0xee: {  	s1 =	ssub.s32 @!p0 $0x0, s1;
	[sflag:s0] =	ssyncset.done @!p0 $0x0  }
0xef: {  	[sflag:s0] =	ssyncadd.s32 @!p0 s1  }
0xf0: {  	[bflag:$0x3] =	sbarrier.arrive $0xFFFF  }
0xf1: {  	_ =	shalt  }

</sc_bundles>
